<compile_context>
chip_gen: v7x
topology: tpu7x:2x2x1
jax: 0.10.2.dev20260603
libtpu: 0.0.44.dev20260713+nightly
codegen_flags: <defaults>
</compile_context>

<pallas_src>
import functools

import jax
import jax.numpy as jnp
from jax import lax
from jax.experimental import pallas as pl
from jax.experimental.pallas import tpu as pltpu
from jax.experimental.pallas import tpu_sc as plsc

BATCH = 128
DIM = 2048
NBLK = DIM // 128
NSUB = 2 * NBLK
NUM_WORKERS = 32
B_PER_W = BATCH // NUM_WORKERS
LANES = 16


def _sc_blend(t_pad, nw_tab, iw_tab, x0_b, nz_b):
    mesh = plsc.VectorSubcoreMesh(core_axis_name="c", subcore_axis_name="s")

    @functools.partial(
        pl.kernel,
        mesh=mesh,
        out_type=jax.ShapeDtypeStruct((BATCH, NSUB, 128), jnp.float32),
        scratch_types=[
            pltpu.VMEM((B_PER_W,), jnp.int32),
            pltpu.VMEM((B_PER_W, DIM), jnp.float32),
            pltpu.VMEM((B_PER_W, DIM), jnp.float32),
            pltpu.VMEM((B_PER_W, NSUB, 128), jnp.float32),
            pltpu.VMEM((B_PER_W, NSUB, 128), jnp.float32),
            pltpu.VMEM((B_PER_W, NSUB, 128), jnp.float32),
            pltpu.SemaphoreType.DMA,
            pltpu.SemaphoreType.DMA,
            pltpu.SemaphoreType.DMA,
            pltpu.SemaphoreType.DMA,
            pltpu.SemaphoreType.DMA,
            pltpu.SemaphoreType.DMA,
        ],
    )
    def k(t_hbm, nw_hbm, iw_hbm, x0_hbm, nz_hbm, out_hbm,
          idx_v, nw_v, iw_v, x0_v, nz_v, out_v,
          sem_w, sem_r0, sem_r1, sem_r2, sem_r3, sem_o):
        wid = lax.axis_index("s") * 2 + lax.axis_index("c")
        base = wid * B_PER_W
        sem_r = (sem_r0, sem_r1, sem_r2, sem_r3)

        row_in = []
        for b in range(B_PER_W):
            h1 = pltpu.async_copy(x0_hbm.at[base + b], x0_v.at[b], sem_r[b])
            h2 = pltpu.async_copy(nz_hbm.at[base + b], nz_v.at[b], sem_r[b])
            row_in.append((h1, h2))

        pltpu.sync_copy(t_hbm.at[wid], idx_v)
        g_nw = pltpu.async_copy(nw_hbm.at[idx_v], nw_v, sem_w)
        g_iw = pltpu.async_copy(iw_hbm.at[idx_v], iw_v, sem_w)
        g_nw.wait()
        g_iw.wait()

        row_out = []
        for b in range(B_PER_W):
            h1, h2 = row_in[b]
            h1.wait()
            h2.wait()

            @plsc.parallel_loop(0, DIM // LANES, unroll=1)
            def chunk(kk, b=b):
                woff = kk * LANES
                j16 = (kk & 7) * LANES
                s0 = (kk >> 3) * 2
                nw16 = nw_v[b, pl.ds(woff, LANES)]
                iw16 = iw_v[b, pl.ds(woff, LANES)]
                for dc in (0, 1):
                    x0c = x0_v[b, s0 + dc, pl.ds(j16, LANES)]
                    nzc = nz_v[b, s0 + dc, pl.ds(j16, LANES)]
                    out_v[b, s0 + dc, pl.ds(j16, LANES)] = (
                        iw16 * x0c + nw16 * nzc)

            row_out.append(
                pltpu.async_copy(out_v.at[b], out_hbm.at[base + b], sem_o))

        for h in row_out:
            h.wait()

    return k(t_pad, nw_tab, iw_tab, x0_b, nz_b)


def kernel(x_0, t, task_id, noise, noise_weights, info_weights):
    del task_id
    t_pad = t.astype(jnp.int32).reshape(NUM_WORKERS, B_PER_W)
    x0_b = x_0.reshape(BATCH, NBLK, 128, 2).transpose(0, 1, 3, 2).reshape(
        BATCH, NSUB, 128)
    nz_b = noise.reshape(BATCH, NBLK, 128, 2).transpose(0, 1, 3, 2).reshape(
        BATCH, NSUB, 128)
    out = _sc_blend(t_pad, noise_weights, info_weights, x0_b, nz_b)
    return out.reshape(BATCH, NBLK, 2, 128).transpose(0, 1, 3, 2).reshape(
        BATCH, DIM, 2)

# --- scband reference (transcript-rebuilt; emitter-appended) ---
"""Pipeline reference for scband-signal-diffusion-88948772700357 (READ-ONLY COPY).

The authoritative reference and input builder live on the scoring server;
editing this copy changes nothing except your own understanding.
"""

import jax, jax.numpy as jnp
import numpy as np

MAX_STEP = 50
INPUT_DIM = 2048
BATCH = 128


def _get_kernel(var_kernel, input_dim):
    samples = np.arange(0, input_dim, dtype=np.float64)
    with np.errstate(divide='ignore', invalid='ignore', over='ignore'):
        k = np.exp(-(samples[None, :] - input_dim // 2) ** 2 / (2 * var_kernel)) / np.sqrt(2 * np.pi * var_kernel)
        k = input_dim * k / np.sum(k, axis=1, keepdims=True)
    return k


def _build_weights():
    beta = np.full(MAX_STEP, 0.02, dtype=np.float64)
    alpha = 1.0 - beta
    alpha_bar = np.cumprod(alpha)
    var_blur = np.full(MAX_STEP, 0.5, dtype=np.float64)
    var_blur_bar = np.cumsum(var_blur)
    with np.errstate(divide='ignore', invalid='ignore'):
        var_kernel_bar = (INPUT_DIM / var_blur_bar)[:, None]
    gk_bar = _get_kernel(var_kernel_bar, INPUT_DIM)
    info_weights = gk_bar * np.sqrt(alpha_bar)[:, None]
    nws = []
    for t in range(MAX_STEP):
        ub = t + 1
        omas = np.sqrt(1.0 - alpha[:ub])
        rev_omas = omas[::-1].copy()
        rev_alpha = alpha[:ub][::-1].copy()
        rev_ab_sqrt = np.sqrt(np.cumprod(rev_alpha) / rev_alpha[-1])
        rev_vb = var_blur[:ub][::-1].copy()
        rev_vbb = np.cumsum(rev_vb) - rev_vb[-1]
        with np.errstate(divide='ignore', invalid='ignore'):
            rev_vkb = (INPUT_DIM / rev_vbb)[:, None]
        rkb = _get_kernel(rev_vkb, INPUT_DIM)
        rkb[0, :] = 1.0
        nws.append((rev_ab_sqrt[:, None] * rkb).T @ rev_omas)
    noise_weights = np.stack(nws, axis=0)
    return noise_weights.astype(np.float32), info_weights.astype(np.float32)


def setup_inputs(seed: int = 0) -> dict:
    key = jax.random.key(seed)
    k1, k2, k3 = jax.random.split(key, 3)
    x_0 = jax.random.normal(k1, (BATCH, INPUT_DIM, 2), dtype=jnp.float32)
    t = jax.random.randint(k2, (BATCH,), 0, MAX_STEP, dtype=jnp.int32)
    noise = jax.random.normal(k3, (BATCH, INPUT_DIM, 2), dtype=jnp.float32)
    nw, iw = _build_weights()
    return {
        'x_0': x_0,
        't': t,
        'task_id': 4,
        'noise': noise,
        'noise_weights': jnp.asarray(nw),
        'info_weights': jnp.asarray(iw),
    }


def reference(x_0, t, task_id, noise, noise_weights, info_weights):
    # degrade_fn with task_id == 4: gather per-timestep weight rows, then
    # x_t = info_weight * x_0 + noise_weight * noise  (noise made explicit for determinism)
    nw = jnp.take(noise_weights, t, axis=0)[:, :, None]
    iw = jnp.take(info_weights, t, axis=0)[:, :, None]
    x_t = iw * x_0 + nw * noise
    return x_t

if __name__ == "__main__":
    import jax
    _d = setup_inputs()
    print(jax.jit(kernel)(*tuple(_d.values())))

</pallas_src>

<mosaic_0001>
#map = affine_map<(d0, d1) -> (0, 0)>
#map1 = affine_map<(d0, d1) -> (0, 0, 0)>
module attributes {stable_mosaic.version = 14 : i64} {
  func.func @k(%arg0: i32, %arg1: i32, %arg2: memref<32x4xi32, #tpu.memory_space<hbm>>, %arg3: memref<50x2048xf32, #tpu.memory_space<hbm>>, %arg4: memref<50x2048xf32, #tpu.memory_space<hbm>>, %arg5: memref<128x32x128xf32, #tpu.memory_space<hbm>>, %arg6: memref<128x32x128xf32, #tpu.memory_space<hbm>>, %arg7: memref<128x32x128xf32, #tpu.memory_space<hbm>>, %arg8: memref<4xi32, #tpu.memory_space<vmem>>, %arg9: memref<4x2048xf32, #tpu.memory_space<vmem>>, %arg10: memref<4x2048xf32, #tpu.memory_space<vmem>>, %arg11: memref<4x32x128xf32, #tpu.memory_space<vmem>>, %arg12: memref<4x32x128xf32, #tpu.memory_space<vmem>>, %arg13: memref<4x32x128xf32, #tpu.memory_space<vmem>>, %arg14: memref<!tpu.dma_semaphore, #tpu.memory_space<semaphore_mem>>, %arg15: memref<!tpu.dma_semaphore, #tpu.memory_space<semaphore_mem>>, %arg16: memref<!tpu.dma_semaphore, #tpu.memory_space<semaphore_mem>>, %arg17: memref<!tpu.dma_semaphore, #tpu.memory_space<semaphore_mem>>, %arg18: memref<!tpu.dma_semaphore, #tpu.memory_space<semaphore_mem>>, %arg19: memref<!tpu.dma_semaphore, #tpu.memory_space<semaphore_mem>>) attributes {dimension_semantics = [#tpu.dimension_semantics<core_parallel>, #tpu.dimension_semantics<subcore_parallel>], iteration_bounds = array<i64: 2, 16>, scalar_prefetch = 0 : i64, scratch_operands = 12 : i64, tpu.core_type = #tpu.core_type<sc_vector_subcore>, window_params = [{transform_indices = #map}, {transform_indices = #map}, {transform_indices = #map}, {transform_indices = #map1}, {transform_indices = #map1}, {transform_indices = #map1}]} {
    %mul3A = arith.constant 2 : i32
    %mul3A_0 = arith.muli %arg1, %mul3A : i32
    %add3A = arith.addi %mul3A_0, %arg0 : i32
    %mul3A_1 = arith.constant 4 : i32
    %mul3A_2 = arith.muli %add3A, %mul3A_1 : i32
    %add3A_3 = arith.constant 0 : i32
    %add3A_4 = arith.addi %mul3A_2, %add3A_3 : i32
    %dma_start3A = arith.constant 0 : i32
    %dma_start3A_5 = arith.constant 0 : i32
    %dma_start3A_6 = arith.constant 0 : i32
    %dma_start3A_7 = tpu.memref_slice %arg11[%dma_start3A, %dma_start3A_5, %dma_start3A_6] : memref<4x32x128xf32, #tpu.memory_space<vmem>> -> memref<1x32x128xf32, #tpu.memory_space<vmem>>
    %dma_start3A_8 = tpu.memref_squeeze %dma_start3A_7 : memref<1x32x128xf32, #tpu.memory_space<vmem>> -> memref<32x128xf32, #tpu.memory_space<vmem>>
    %dma_start3A_9 = arith.constant 0 : i32
    %dma_start3A_10 = arith.constant 0 : i32
    %dma_start3A_11 = tpu.memref_slice %arg5[%add3A_4, %dma_start3A_9, %dma_start3A_10] : memref<128x32x128xf32, #tpu.memory_space<hbm>> -> memref<1x32x128xf32, #tpu.memory_space<hbm>>
    %dma_start3A_12 = tpu.memref_squeeze %dma_start3A_11 : memref<1x32x128xf32, #tpu.memory_space<hbm>> -> memref<32x128xf32, #tpu.memory_space<hbm>>
    %dma_start3A_13 = arith.constant 0 : i32
    %dma_start3A_14 = arith.constant 0 : i32
    %dma_start3A_15 = tpu.memref_slice %arg11[%dma_start3A, %dma_start3A_13, %dma_start3A_14] : memref<4x32x128xf32, #tpu.memory_space<vmem>> -> memref<1x32x128xf32, #tpu.memory_space<vmem>>
    %dma_start3A_16 = tpu.memref_squeeze %dma_start3A_15 : memref<1x32x128xf32, #tpu.memory_space<vmem>> -> memref<32x128xf32, #tpu.memory_space<vmem>>
    %dma_start3A_17 = arith.constant 0 : i32
    %dma_start3A_18 = arith.constant 0 : i32
    %dma_start3A_19 = tpu.memref_slice %arg5[%add3A_4, %dma_start3A_17, %dma_start3A_18] : memref<128x32x128xf32, #tpu.memory_space<hbm>> -> memref<1x32x128xf32, #tpu.memory_space<hbm>>
    %dma_start3A_20 = tpu.memref_squeeze %dma_start3A_19 : memref<1x32x128xf32, #tpu.memory_space<hbm>> -> memref<32x128xf32, #tpu.memory_space<hbm>>
    tpu.enqueue_dma source(%dma_start3A_20 : memref<32x128xf32, #tpu.memory_space<hbm>>) target(%dma_start3A_16 : memref<32x128xf32, #tpu.memory_space<vmem>>) target_semaphore(%arg15 : memref<!tpu.dma_semaphore, #tpu.memory_space<semaphore_mem>>)
    %add3A_21 = arith.constant 0 : i32
    %add3A_22 = arith.addi %mul3A_2, %add3A_21 : i32
    %dma_start3A_23 = arith.constant 0 : i32
    %dma_start3A_24 = arith.constant 0 : i32
    %dma_start3A_25 = arith.constant 0 : i32
    %dma_start3A_26 = tpu.memref_slice %arg12[%dma_start3A_23, %dma_start3A_24, %dma_start3A_25] : memref<4x32x128xf32, #tpu.memory_space<vmem>> -> memref<1x32x128xf32, #tpu.memory_space<vmem>>
    %dma_start3A_27 = tpu.memref_squeeze %dma_start3A_26 : memref<1x32x128xf32, #tpu.memory_space<vmem>> -> memref<32x128xf32, #tpu.memory_space<vmem>>
    %dma_start3A_28 = arith.constant 0 : i32
    %dma_start3A_29 = arith.constant 0 : i32
    %dma_start3A_30 = tpu.memref_slice %arg6[%add3A_22, %dma_start3A_28, %dma_start3A_29] : memref<128x32x128xf32, #tpu.memory_space<hbm>> -> memref<1x32x128xf32, #tpu.memory_space<hbm>>
    %dma_start3A_31 = tpu.memref_squeeze %dma_start3A_30 : memref<1x32x128xf32, #tpu.memory_space<hbm>> -> memref<32x128xf32, #tpu.memory_space<hbm>>
    %dma_start3A_32 = arith.constant 0 : i32
    %dma_start3A_33 = arith.constant 0 : i32
    %dma_start3A_34 = tpu.memref_slice %arg12[%dma_start3A_23, %dma_start3A_32, %dma_start3A_33] : memref<4x32x128xf32, #tpu.memory_space<vmem>> -> memref<1x32x128xf32, #tpu.memory_space<vmem>>
    %dma_start3A_35 = tpu.memref_squeeze %dma_start3A_34 : memref<1x32x128xf32, #tpu.memory_space<vmem>> -> memref<32x128xf32, #tpu.memory_space<vmem>>
    %dma_start3A_36 = arith.constant 0 : i32
    %dma_start3A_37 = arith.constant 0 : i32
    %dma_start3A_38 = tpu.memref_slice %arg6[%add3A_22, %dma_start3A_36, %dma_start3A_37] : memref<128x32x128xf32, #tpu.memory_space<hbm>> -> memref<1x32x128xf32, #tpu.memory_space<hbm>>
    %dma_start3A_39 = tpu.memref_squeeze %dma_start3A_38 : memref<1x32x128xf32, #tpu.memory_space<hbm>> -> memref<32x128xf32, #tpu.memory_space<hbm>>
    tpu.enqueue_dma source(%dma_start3A_39 : memref<32x128xf32, #tpu.memory_space<hbm>>) target(%dma_start3A_35 : memref<32x128xf32, #tpu.memory_space<vmem>>) target_semaphore(%arg15 : memref<!tpu.dma_semaphore, #tpu.memory_space<semaphore_mem>>)
    %add3A_40 = arith.constant 1 : i32
    %add3A_41 = arith.addi %mul3A_2, %add3A_40 : i32
    %dma_start3A_42 = arith.constant 1 : i32
    %dma_start3A_43 = arith.constant 0 : i32
    %dma_start3A_44 = arith.constant 0 : i32
    %dma_start3A_45 = tpu.memref_slice %arg11[%dma_start3A_42, %dma_start3A_43, %dma_start3A_44] : memref<4x32x128xf32, #tpu.memory_space<vmem>> -> memref<1x32x128xf32, #tpu.memory_space<vmem>>
    %dma_start3A_46 = tpu.memref_squeeze %dma_start3A_45 : memref<1x32x128xf32, #tpu.memory_space<vmem>> -> memref<32x128xf32, #tpu.memory_space<vmem>>
    %dma_start3A_47 = arith.constant 0 : i32
    %dma_start3A_48 = arith.constant 0 : i32
    %dma_start3A_49 = tpu.memref_slice %arg5[%add3A_41, %dma_start3A_47, %dma_start3A_48] : memref<128x32x128xf32, #tpu.memory_space<hbm>> -> memref<1x32x128xf32, #tpu.memory_space<hbm>>
    %dma_start3A_50 = tpu.memref_squeeze %dma_start3A_49 : memref<1x32x128xf32, #tpu.memory_space<hbm>> -> memref<32x128xf32, #tpu.memory_space<hbm>>
    %dma_start3A_51 = arith.constant 0 : i32
    %dma_start3A_52 = arith.constant 0 : i32
    %dma_start3A_53 = tpu.memref_slice %arg11[%dma_start3A_42, %dma_start3A_51, %dma_start3A_52] : memref<4x32x128xf32, #tpu.memory_space<vmem>> -> memref<1x32x128xf32, #tpu.memory_space<vmem>>
    %dma_start3A_54 = tpu.memref_squeeze %dma_start3A_53 : memref<1x32x128xf32, #tpu.memory_space<vmem>> -> memref<32x128xf32, #tpu.memory_space<vmem>>
    %dma_start3A_55 = arith.constant 0 : i32
    %dma_start3A_56 = arith.constant 0 : i32
    %dma_start3A_57 = tpu.memref_slice %arg5[%add3A_41, %dma_start3A_55, %dma_start3A_56] : memref<128x32x128xf32, #tpu.memory_space<hbm>> -> memref<1x32x128xf32, #tpu.memory_space<hbm>>
    %dma_start3A_58 = tpu.memref_squeeze %dma_start3A_57 : memref<1x32x128xf32, #tpu.memory_space<hbm>> -> memref<32x128xf32, #tpu.memory_space<hbm>>
    tpu.enqueue_dma source(%dma_start3A_58 : memref<32x128xf32, #tpu.memory_space<hbm>>) target(%dma_start3A_54 : memref<32x128xf32, #tpu.memory_space<vmem>>) target_semaphore(%arg16 : memref<!tpu.dma_semaphore, #tpu.memory_space<semaphore_mem>>)
    %add3A_59 = arith.constant 1 : i32
    %add3A_60 = arith.addi %mul3A_2, %add3A_59 : i32
    %dma_start3A_61 = arith.constant 1 : i32
    %dma_start3A_62 = arith.constant 0 : i32
    %dma_start3A_63 = arith.constant 0 : i32
    %dma_start3A_64 = tpu.memref_slice %arg12[%dma_start3A_61, %dma_start3A_62, %dma_start3A_63] : memref<4x32x128xf32, #tpu.memory_space<vmem>> -> memref<1x32x128xf32, #tpu.memory_space<vmem>>
    %dma_start3A_65 = tpu.memref_squeeze %dma_start3A_64 : memref<1x32x128xf32, #tpu.memory_space<vmem>> -> memref<32x128xf32, #tpu.memory_space<vmem>>
    %dma_start3A_66 = arith.constant 0 : i32
    %dma_start3A_67 = arith.constant 0 : i32
    %dma_start3A_68 = tpu.memref_slice %arg6[%add3A_60, %dma_start3A_66, %dma_start3A_67] : memref<128x32x128xf32, #tpu.memory_space<hbm>> -> memref<1x32x128xf32, #tpu.memory_space<hbm>>
    %dma_start3A_69 = tpu.memref_squeeze %dma_start3A_68 : memref<1x32x128xf32, #tpu.memory_space<hbm>> -> memref<32x128xf32, #tpu.memory_space<hbm>>
    %dma_start3A_70 = arith.constant 0 : i32
    %dma_start3A_71 = arith.constant 0 : i32
    %dma_start3A_72 = tpu.memref_slice %arg12[%dma_start3A_61, %dma_start3A_70, %dma_start3A_71] : memref<4x32x128xf32, #tpu.memory_space<vmem>> -> memref<1x32x128xf32, #tpu.memory_space<vmem>>
    %dma_start3A_73 = tpu.memref_squeeze %dma_start3A_72 : memref<1x32x128xf32, #tpu.memory_space<vmem>> -> memref<32x128xf32, #tpu.memory_space<vmem>>
    %dma_start3A_74 = arith.constant 0 : i32
    %dma_start3A_75 = arith.constant 0 : i32
    %dma_start3A_76 = tpu.memref_slice %arg6[%add3A_60, %dma_start3A_74, %dma_start3A_75] : memref<128x32x128xf32, #tpu.memory_space<hbm>> -> memref<1x32x128xf32, #tpu.memory_space<hbm>>
    %dma_start3A_77 = tpu.memref_squeeze %dma_start3A_76 : memref<1x32x128xf32, #tpu.memory_space<hbm>> -> memref<32x128xf32, #tpu.memory_space<hbm>>
    tpu.enqueue_dma source(%dma_start3A_77 : memref<32x128xf32, #tpu.memory_space<hbm>>) target(%dma_start3A_73 : memref<32x128xf32, #tpu.memory_space<vmem>>) target_semaphore(%arg16 : memref<!tpu.dma_semaphore, #tpu.memory_space<semaphore_mem>>)
    %add3A_78 = arith.constant 2 : i32
    %add3A_79 = arith.addi %mul3A_2, %add3A_78 : i32
    %dma_start3A_80 = arith.constant 2 : i32
    %dma_start3A_81 = arith.constant 0 : i32
    %dma_start3A_82 = arith.constant 0 : i32
    %dma_start3A_83 = tpu.memref_slice %arg11[%dma_start3A_80, %dma_start3A_81, %dma_start3A_82] : memref<4x32x128xf32, #tpu.memory_space<vmem>> -> memref<1x32x128xf32, #tpu.memory_space<vmem>>
    %dma_start3A_84 = tpu.memref_squeeze %dma_start3A_83 : memref<1x32x128xf32, #tpu.memory_space<vmem>> -> memref<32x128xf32, #tpu.memory_space<vmem>>
    %dma_start3A_85 = arith.constant 0 : i32
    %dma_start3A_86 = arith.constant 0 : i32
    %dma_start3A_87 = tpu.memref_slice %arg5[%add3A_79, %dma_start3A_85, %dma_start3A_86] : memref<128x32x128xf32, #tpu.memory_space<hbm>> -> memref<1x32x128xf32, #tpu.memory_space<hbm>>
    %dma_start3A_88 = tpu.memref_squeeze %dma_start3A_87 : memref<1x32x128xf32, #tpu.memory_space<hbm>> -> memref<32x128xf32, #tpu.memory_space<hbm>>
    %dma_start3A_89 = arith.constant 0 : i32
    %dma_start3A_90 = arith.constant 0 : i32
    %dma_start3A_91 = tpu.memref_slice %arg11[%dma_start3A_80, %dma_start3A_89, %dma_start3A_90] : memref<4x32x128xf32, #tpu.memory_space<vmem>> -> memref<1x32x128xf32, #tpu.memory_space<vmem>>
    %dma_start3A_92 = tpu.memref_squeeze %dma_start3A_91 : memref<1x32x128xf32, #tpu.memory_space<vmem>> -> memref<32x128xf32, #tpu.memory_space<vmem>>
    %dma_start3A_93 = arith.constant 0 : i32
    %dma_start3A_94 = arith.constant 0 : i32
    %dma_start3A_95 = tpu.memref_slice %arg5[%add3A_79, %dma_start3A_93, %dma_start3A_94] : memref<128x32x128xf32, #tpu.memory_space<hbm>> -> memref<1x32x128xf32, #tpu.memory_space<hbm>>
    %dma_start3A_96 = tpu.memref_squeeze %dma_start3A_95 : memref<1x32x128xf32, #tpu.memory_space<hbm>> -> memref<32x128xf32, #tpu.memory_space<hbm>>
    tpu.enqueue_dma source(%dma_start3A_96 : memref<32x128xf32, #tpu.memory_space<hbm>>) target(%dma_start3A_92 : memref<32x128xf32, #tpu.memory_space<vmem>>) target_semaphore(%arg17 : memref<!tpu.dma_semaphore, #tpu.memory_space<semaphore_mem>>)
    %add3A_97 = arith.constant 2 : i32
    %add3A_98 = arith.addi %mul3A_2, %add3A_97 : i32
    %dma_start3A_99 = arith.constant 2 : i32
    %dma_start3A_100 = arith.constant 0 : i32
    %dma_start3A_101 = arith.constant 0 : i32
    %dma_start3A_102 = tpu.memref_slice %arg12[%dma_start3A_99, %dma_start3A_100, %dma_start3A_101] : memref<4x32x128xf32, #tpu.memory_space<vmem>> -> memref<1x32x128xf32, #tpu.memory_space<vmem>>
    %dma_start3A_103 = tpu.memref_squeeze %dma_start3A_102 : memref<1x32x128xf32, #tpu.memory_space<vmem>> -> memref<32x128xf32, #tpu.memory_space<vmem>>
    %dma_start3A_104 = arith.constant 0 : i32
    %dma_start3A_105 = arith.constant 0 : i32
    %dma_start3A_106 = tpu.memref_slice %arg6[%add3A_98, %dma_start3A_104, %dma_start3A_105] : memref<128x32x128xf32, #tpu.memory_space<hbm>> -> memref<1x32x128xf32, #tpu.memory_space<hbm>>
    %dma_start3A_107 = tpu.memref_squeeze %dma_start3A_106 : memref<1x32x128xf32, #tpu.memory_space<hbm>> -> memref<32x128xf32, #tpu.memory_space<hbm>>
    %dma_start3A_108 = arith.constant 0 : i32
    %dma_start3A_109 = arith.constant 0 : i32
    %dma_start3A_110 = tpu.memref_slice %arg12[%dma_start3A_99, %dma_start3A_108, %dma_start3A_109] : memref<4x32x128xf32, #tpu.memory_space<vmem>> -> memref<1x32x128xf32, #tpu.memory_space<vmem>>
    %dma_start3A_111 = tpu.memref_squeeze %dma_start3A_110 : memref<1x32x128xf32, #tpu.memory_space<vmem>> -> memref<32x128xf32, #tpu.memory_space<vmem>>
    %dma_start3A_112 = arith.constant 0 : i32
    %dma_start3A_113 = arith.constant 0 : i32
    %dma_start3A_114 = tpu.memref_slice %arg6[%add3A_98, %dma_start3A_112, %dma_start3A_113] : memref<128x32x128xf32, #tpu.memory_space<hbm>> -> memref<1x32x128xf32, #tpu.memory_space<hbm>>
    %dma_start3A_115 = tpu.memref_squeeze %dma_start3A_114 : memref<1x32x128xf32, #tpu.memory_space<hbm>> -> memref<32x128xf32, #tpu.memory_space<hbm>>
    tpu.enqueue_dma source(%dma_start3A_115 : memref<32x128xf32, #tpu.memory_space<hbm>>) target(%dma_start3A_111 : memref<32x128xf32, #tpu.memory_space<vmem>>) target_semaphore(%arg17 : memref<!tpu.dma_semaphore, #tpu.memory_space<semaphore_mem>>)
    %add3A_116 = arith.constant 3 : i32
    %add3A_117 = arith.addi %mul3A_2, %add3A_116 : i32
    %dma_start3A_118 = arith.constant 3 : i32
    %dma_start3A_119 = arith.constant 0 : i32
    %dma_start3A_120 = arith.constant 0 : i32
    %dma_start3A_121 = tpu.memref_slice %arg11[%dma_start3A_118, %dma_start3A_119, %dma_start3A_120] : memref<4x32x128xf32, #tpu.memory_space<vmem>> -> memref<1x32x128xf32, #tpu.memory_space<vmem>>
    %dma_start3A_122 = tpu.memref_squeeze %dma_start3A_121 : memref<1x32x128xf32, #tpu.memory_space<vmem>> -> memref<32x128xf32, #tpu.memory_space<vmem>>
    %dma_start3A_123 = arith.constant 0 : i32
    %dma_start3A_124 = arith.constant 0 : i32
    %dma_start3A_125 = tpu.memref_slice %arg5[%add3A_117, %dma_start3A_123, %dma_start3A_124] : memref<128x32x128xf32, #tpu.memory_space<hbm>> -> memref<1x32x128xf32, #tpu.memory_space<hbm>>
    %dma_start3A_126 = tpu.memref_squeeze %dma_start3A_125 : memref<1x32x128xf32, #tpu.memory_space<hbm>> -> memref<32x128xf32, #tpu.memory_space<hbm>>
    %dma_start3A_127 = arith.constant 0 : i32
    %dma_start3A_128 = arith.constant 0 : i32
    %dma_start3A_129 = tpu.memref_slice %arg11[%dma_start3A_118, %dma_start3A_127, %dma_start3A_128] : memref<4x32x128xf32, #tpu.memory_space<vmem>> -> memref<1x32x128xf32, #tpu.memory_space<vmem>>
    %dma_start3A_130 = tpu.memref_squeeze %dma_start3A_129 : memref<1x32x128xf32, #tpu.memory_space<vmem>> -> memref<32x128xf32, #tpu.memory_space<vmem>>
    %dma_start3A_131 = arith.constant 0 : i32
    %dma_start3A_132 = arith.constant 0 : i32
    %dma_start3A_133 = tpu.memref_slice %arg5[%add3A_117, %dma_start3A_131, %dma_start3A_132] : memref<128x32x128xf32, #tpu.memory_space<hbm>> -> memref<1x32x128xf32, #tpu.memory_space<hbm>>
    %dma_start3A_134 = tpu.memref_squeeze %dma_start3A_133 : memref<1x32x128xf32, #tpu.memory_space<hbm>> -> memref<32x128xf32, #tpu.memory_space<hbm>>
    tpu.enqueue_dma source(%dma_start3A_134 : memref<32x128xf32, #tpu.memory_space<hbm>>) target(%dma_start3A_130 : memref<32x128xf32, #tpu.memory_space<vmem>>) target_semaphore(%arg18 : memref<!tpu.dma_semaphore, #tpu.memory_space<semaphore_mem>>)
    %add3A_135 = arith.constant 3 : i32
    %add3A_136 = arith.addi %mul3A_2, %add3A_135 : i32
    %dma_start3A_137 = arith.constant 3 : i32
    %dma_start3A_138 = arith.constant 0 : i32
    %dma_start3A_139 = arith.constant 0 : i32
    %dma_start3A_140 = tpu.memref_slice %arg12[%dma_start3A_137, %dma_start3A_138, %dma_start3A_139] : memref<4x32x128xf32, #tpu.memory_space<vmem>> -> memref<1x32x128xf32, #tpu.memory_space<vmem>>
    %dma_start3A_141 = tpu.memref_squeeze %dma_start3A_140 : memref<1x32x128xf32, #tpu.memory_space<vmem>> -> memref<32x128xf32, #tpu.memory_space<vmem>>
    %dma_start3A_142 = arith.constant 0 : i32
    %dma_start3A_143 = arith.constant 0 : i32
    %dma_start3A_144 = tpu.memref_slice %arg6[%add3A_136, %dma_start3A_142, %dma_start3A_143] : memref<128x32x128xf32, #tpu.memory_space<hbm>> -> memref<1x32x128xf32, #tpu.memory_space<hbm>>
    %dma_start3A_145 = tpu.memref_squeeze %dma_start3A_144 : memref<1x32x128xf32, #tpu.memory_space<hbm>> -> memref<32x128xf32, #tpu.memory_space<hbm>>
    %dma_start3A_146 = arith.constant 0 : i32
    %dma_start3A_147 = arith.constant 0 : i32
    %dma_start3A_148 = tpu.memref_slice %arg12[%dma_start3A_137, %dma_start3A_146, %dma_start3A_147] : memref<4x32x128xf32, #tpu.memory_space<vmem>> -> memref<1x32x128xf32, #tpu.memory_space<vmem>>
    %dma_start3A_149 = tpu.memref_squeeze %dma_start3A_148 : memref<1x32x128xf32, #tpu.memory_space<vmem>> -> memref<32x128xf32, #tpu.memory_space<vmem>>
    %dma_start3A_150 = arith.constant 0 : i32
    %dma_start3A_151 = arith.constant 0 : i32
    %dma_start3A_152 = tpu.memref_slice %arg6[%add3A_136, %dma_start3A_150, %dma_start3A_151] : memref<128x32x128xf32, #tpu.memory_space<hbm>> -> memref<1x32x128xf32, #tpu.memory_space<hbm>>
    %dma_start3A_153 = tpu.memref_squeeze %dma_start3A_152 : memref<1x32x128xf32, #tpu.memory_space<hbm>> -> memref<32x128xf32, #tpu.memory_space<hbm>>
    tpu.enqueue_dma source(%dma_start3A_153 : memref<32x128xf32, #tpu.memory_space<hbm>>) target(%dma_start3A_149 : memref<32x128xf32, #tpu.memory_space<vmem>>) target_semaphore(%arg18 : memref<!tpu.dma_semaphore, #tpu.memory_space<semaphore_mem>>)
    "tpu.region"() ({
      %run_scoped3A = tpu.sem_alloc : memref<!tpu.dma_semaphore, #tpu.memory_space<semaphore_mem>>
      %dma_start3A_456 = arith.constant 0 : i32
      %dma_start3A_457 = tpu.memref_slice %arg2[%add3A, %dma_start3A_456] : memref<32x4xi32, #tpu.memory_space<hbm>> -> memref<1x4xi32, #tpu.memory_space<hbm>>
      %dma_start3A_458 = tpu.memref_squeeze %dma_start3A_457 : memref<1x4xi32, #tpu.memory_space<hbm>> -> memref<4xi32, #tpu.memory_space<hbm>>
      %dma_start3A_459 = arith.constant 0 : i32
      %dma_start3A_460 = tpu.memref_slice %arg2[%add3A, %dma_start3A_459] : memref<32x4xi32, #tpu.memory_space<hbm>> -> memref<1x4xi32, #tpu.memory_space<hbm>>
      %dma_start3A_461 = tpu.memref_squeeze %dma_start3A_460 : memref<1x4xi32, #tpu.memory_space<hbm>> -> memref<4xi32, #tpu.memory_space<hbm>>
      tpu.enqueue_dma source(%dma_start3A_461 : memref<4xi32, #tpu.memory_space<hbm>>) target(%arg8 : memref<4xi32, #tpu.memory_space<vmem>>) target_semaphore(%run_scoped3A : memref<!tpu.dma_semaphore, #tpu.memory_space<semaphore_mem>>)
      %dma_wait3A_462 = arith.constant 0 : i32
      %dma_wait3A_463 = tpu.memref_slice %arg2[%add3A, %dma_wait3A_462] : memref<32x4xi32, #tpu.memory_space<hbm>> -> memref<1x4xi32, #tpu.memory_space<hbm>>
      %dma_wait3A_464 = tpu.memref_squeeze %dma_wait3A_463 : memref<1x4xi32, #tpu.memory_space<hbm>> -> memref<4xi32, #tpu.memory_space<hbm>>
      %dma_wait3A_465 = arith.constant 0 : i32
      %dma_wait3A_466 = tpu.memref_slice %arg2[%add3A, %dma_wait3A_465] : memref<32x4xi32, #tpu.memory_space<hbm>> -> memref<1x4xi32, #tpu.memory_space<hbm>>
      %dma_wait3A_467 = tpu.memref_squeeze %dma_wait3A_466 : memref<1x4xi32, #tpu.memory_space<hbm>> -> memref<4xi32, #tpu.memory_space<hbm>>
      tpu.wait_dma2 semaphore(%run_scoped3A : memref<!tpu.dma_semaphore, #tpu.memory_space<semaphore_mem>>) src(%dma_wait3A_467 : memref<4xi32, #tpu.memory_space<hbm>>) dst(%arg8 : memref<4xi32, #tpu.memory_space<vmem>>)
      tpu.yield
    }) : () -> ()
    %dma_start3A_154 = arith.constant 0 : i32
    %dma_start3A_155 = arith.constant 0 : i32
    %dma_start3A_156 = tpu.memref_slice %arg3[%dma_start3A_154, %dma_start3A_155] : memref<50x2048xf32, #tpu.memory_space<hbm>> -> memref<50x2048xf32, #tpu.memory_space<hbm>>
    tpu.enqueue_indirect_dma source(%dma_start3A_156 : memref<50x2048xf32, #tpu.memory_space<hbm>>) target(%arg9 : memref<4x2048xf32, #tpu.memory_space<vmem>>) offsets(%arg8 : memref<4xi32, #tpu.memory_space<vmem>>) semaphore(%arg14 : memref<!tpu.dma_semaphore, #tpu.memory_space<semaphore_mem>>)
    %dma_start3A_157 = arith.constant 0 : i32
    %dma_start3A_158 = arith.constant 0 : i32
    %dma_start3A_159 = tpu.memref_slice %arg4[%dma_start3A_157, %dma_start3A_158] : memref<50x2048xf32, #tpu.memory_space<hbm>> -> memref<50x2048xf32, #tpu.memory_space<hbm>>
    tpu.enqueue_indirect_dma source(%dma_start3A_159 : memref<50x2048xf32, #tpu.memory_space<hbm>>) target(%arg10 : memref<4x2048xf32, #tpu.memory_space<vmem>>) offsets(%arg8 : memref<4xi32, #tpu.memory_space<vmem>>) semaphore(%arg14 : memref<!tpu.dma_semaphore, #tpu.memory_space<semaphore_mem>>)
    %dma_wait3A = arith.constant 0 : i32
    %dma_wait3A_160 = arith.constant 0 : i32
    %dma_wait3A_161 = tpu.memref_slice %arg3[%dma_wait3A, %dma_wait3A_160] : memref<50x2048xf32, #tpu.memory_space<hbm>> -> memref<50x2048xf32, #tpu.memory_space<hbm>>
    tpu.wait_indirect_dma semaphore(%arg14 : memref<!tpu.dma_semaphore, #tpu.memory_space<semaphore_mem>>) src(%dma_wait3A_161 : memref<50x2048xf32, #tpu.memory_space<hbm>>) dst(%arg9 : memref<4x2048xf32, #tpu.memory_space<vmem>>)
    %dma_wait3A_162 = arith.constant 0 : i32
    %dma_wait3A_163 = arith.constant 0 : i32
    %dma_wait3A_164 = tpu.memref_slice %arg4[%dma_wait3A_162, %dma_wait3A_163] : memref<50x2048xf32, #tpu.memory_space<hbm>> -> memref<50x2048xf32, #tpu.memory_space<hbm>>
    tpu.wait_indirect_dma semaphore(%arg14 : memref<!tpu.dma_semaphore, #tpu.memory_space<semaphore_mem>>) src(%dma_wait3A_164 : memref<50x2048xf32, #tpu.memory_space<hbm>>) dst(%arg10 : memref<4x2048xf32, #tpu.memory_space<vmem>>)
    %dma_wait3A_165 = arith.constant 0 : i32
    %dma_wait3A_166 = arith.constant 0 : i32
    %dma_wait3A_167 = arith.constant 0 : i32
    %dma_wait3A_168 = tpu.memref_slice %arg11[%dma_wait3A_165, %dma_wait3A_166, %dma_wait3A_167] : memref<4x32x128xf32, #tpu.memory_space<vmem>> -> memref<1x32x128xf32, #tpu.memory_space<vmem>>
    %dma_wait3A_169 = tpu.memref_squeeze %dma_wait3A_168 : memref<1x32x128xf32, #tpu.memory_space<vmem>> -> memref<32x128xf32, #tpu.memory_space<vmem>>
    %dma_wait3A_170 = arith.constant 0 : i32
    %dma_wait3A_171 = arith.constant 0 : i32
    %dma_wait3A_172 = tpu.memref_slice %arg5[%add3A_4, %dma_wait3A_170, %dma_wait3A_171] : memref<128x32x128xf32, #tpu.memory_space<hbm>> -> memref<1x32x128xf32, #tpu.memory_space<hbm>>
    %dma_wait3A_173 = tpu.memref_squeeze %dma_wait3A_172 : memref<1x32x128xf32, #tpu.memory_space<hbm>> -> memref<32x128xf32, #tpu.memory_space<hbm>>
    %dma_wait3A_174 = arith.constant 0 : i32
    %dma_wait3A_175 = arith.constant 0 : i32
    %dma_wait3A_176 = tpu.memref_slice %arg11[%dma_wait3A_165, %dma_wait3A_174, %dma_wait3A_175] : memref<4x32x128xf32, #tpu.memory_space<vmem>> -> memref<1x32x128xf32, #tpu.memory_space<vmem>>
    %dma_wait3A_177 = tpu.memref_squeeze %dma_wait3A_176 : memref<1x32x128xf32, #tpu.memory_space<vmem>> -> memref<32x128xf32, #tpu.memory_space<vmem>>
    %dma_wait3A_178 = arith.constant 0 : i32
    %dma_wait3A_179 = arith.constant 0 : i32
    %dma_wait3A_180 = tpu.memref_slice %arg5[%add3A_4, %dma_wait3A_178, %dma_wait3A_179] : memref<128x32x128xf32, #tpu.memory_space<hbm>> -> memref<1x32x128xf32, #tpu.memory_space<hbm>>
    %dma_wait3A_181 = tpu.memref_squeeze %dma_wait3A_180 : memref<1x32x128xf32, #tpu.memory_space<hbm>> -> memref<32x128xf32, #tpu.memory_space<hbm>>
    tpu.wait_dma2 semaphore(%arg15 : memref<!tpu.dma_semaphore, #tpu.memory_space<semaphore_mem>>) src(%dma_wait3A_181 : memref<32x128xf32, #tpu.memory_space<hbm>>) dst(%dma_wait3A_177 : memref<32x128xf32, #tpu.memory_space<vmem>>)
    %dma_wait3A_182 = arith.constant 0 : i32
    %dma_wait3A_183 = arith.constant 0 : i32
    %dma_wait3A_184 = arith.constant 0 : i32
    %dma_wait3A_185 = tpu.memref_slice %arg12[%dma_wait3A_182, %dma_wait3A_183, %dma_wait3A_184] : memref<4x32x128xf32, #tpu.memory_space<vmem>> -> memref<1x32x128xf32, #tpu.memory_space<vmem>>
    %dma_wait3A_186 = tpu.memref_squeeze %dma_wait3A_185 : memref<1x32x128xf32, #tpu.memory_space<vmem>> -> memref<32x128xf32, #tpu.memory_space<vmem>>
    %dma_wait3A_187 = arith.constant 0 : i32
    %dma_wait3A_188 = arith.constant 0 : i32
    %dma_wait3A_189 = tpu.memref_slice %arg6[%add3A_22, %dma_wait3A_187, %dma_wait3A_188] : memref<128x32x128xf32, #tpu.memory_space<hbm>> -> memref<1x32x128xf32, #tpu.memory_space<hbm>>
    %dma_wait3A_190 = tpu.memref_squeeze %dma_wait3A_189 : memref<1x32x128xf32, #tpu.memory_space<hbm>> -> memref<32x128xf32, #tpu.memory_space<hbm>>
    %dma_wait3A_191 = arith.constant 0 : i32
    %dma_wait3A_192 = arith.constant 0 : i32
    %dma_wait3A_193 = tpu.memref_slice %arg12[%dma_wait3A_182, %dma_wait3A_191, %dma_wait3A_192] : memref<4x32x128xf32, #tpu.memory_space<vmem>> -> memref<1x32x128xf32, #tpu.memory_space<vmem>>
    %dma_wait3A_194 = tpu.memref_squeeze %dma_wait3A_193 : memref<1x32x128xf32, #tpu.memory_space<vmem>> -> memref<32x128xf32, #tpu.memory_space<vmem>>
    %dma_wait3A_195 = arith.constant 0 : i32
    %dma_wait3A_196 = arith.constant 0 : i32
    %dma_wait3A_197 = tpu.memref_slice %arg6[%add3A_22, %dma_wait3A_195, %dma_wait3A_196] : memref<128x32x128xf32, #tpu.memory_space<hbm>> -> memref<1x32x128xf32, #tpu.memory_space<hbm>>
    %dma_wait3A_198 = tpu.memref_squeeze %dma_wait3A_197 : memref<1x32x128xf32, #tpu.memory_space<hbm>> -> memref<32x128xf32, #tpu.memory_space<hbm>>
    tpu.wait_dma2 semaphore(%arg15 : memref<!tpu.dma_semaphore, #tpu.memory_space<semaphore_mem>>) src(%dma_wait3A_198 : memref<32x128xf32, #tpu.memory_space<hbm>>) dst(%dma_wait3A_194 : memref<32x128xf32, #tpu.memory_space<vmem>>)
    %parallel_loop3A = arith.constant 0 : i32
    %parallel_loop3A_199 = arith.constant 128 : i32
    %parallel_loop3A_200 = arith.constant 1 : i32
    scf.for %parallel_loop3A_456 = %parallel_loop3A to %parallel_loop3A_199 step %parallel_loop3A_200  : i32 {
      %parallel_loop3A_457 = arith.constant 16 : i32
      %parallel_loop3A_458 = arith.muli %parallel_loop3A_456, %parallel_loop3A_457 : i32
      %parallel_loop3A_459 = arith.constant 7 : i32
      %parallel_loop3A_460 = arith.andi %parallel_loop3A_456, %parallel_loop3A_459 : i32
      %parallel_loop3A_461 = arith.constant 16 : i32
      %parallel_loop3A_462 = arith.muli %parallel_loop3A_460, %parallel_loop3A_461 : i32
      %parallel_loop3A_463 = arith.constant 3 : i32
      %parallel_loop3A_464 = arith.shrsi %parallel_loop3A_456, %parallel_loop3A_463 : i32
      %parallel_loop3A_465 = arith.constant 2 : i32
      %parallel_loop3A_466 = arith.muli %parallel_loop3A_464, %parallel_loop3A_465 : i32
      %parallel_loop3A_467 = arith.constant 0 : i32
      %parallel_loop3A_468 = arith.index_cast %parallel_loop3A_467 : i32 to index
      %parallel_loop3A_469 = arith.index_cast %parallel_loop3A_458 : i32 to index
      %parallel_loop3A_470 = tpu.vector_load %arg9[%parallel_loop3A_468, %parallel_loop3A_469] {strides = array<i32>} : memref<4x2048xf32, #tpu.memory_space<vmem>>, vector<1x16xf32>,
      %parallel_loop3A_471 = vector.shape_cast %parallel_loop3A_470 : vector<1x16xf32> to vector<16xf32>
      %parallel_loop3A_472 = arith.constant 0 : i32
      %parallel_loop3A_473 = arith.index_cast %parallel_loop3A_472 : i32 to index
      %parallel_loop3A_474 = arith.index_cast %parallel_loop3A_458 : i32 to index
      %parallel_loop3A_475 = tpu.vector_load %arg10[%parallel_loop3A_473, %parallel_loop3A_474] {strides = array<i32>} : memref<4x2048xf32, #tpu.memory_space<vmem>>, vector<1x16xf32>,
      %parallel_loop3A_476 = vector.shape_cast %parallel_loop3A_475 : vector<1x16xf32> to vector<16xf32>
      %parallel_loop3A_477 = arith.constant 0 : i32
      %parallel_loop3A_478 = arith.addi %parallel_loop3A_466, %parallel_loop3A_477 : i32
      %parallel_loop3A_479 = arith.constant 0 : i32
      %parallel_loop3A_480 = arith.index_cast %parallel_loop3A_479 : i32 to index
      %parallel_loop3A_481 = arith.index_cast %parallel_loop3A_478 : i32 to index
      %parallel_loop3A_482 = arith.index_cast %parallel_loop3A_462 : i32 to index
      %parallel_loop3A_483 = tpu.vector_load %arg11[%parallel_loop3A_480, %parallel_loop3A_481, %parallel_loop3A_482] {strides = array<i32>} : memref<4x32x128xf32, #tpu.memory_space<vmem>>, vector<1x1x16xf32>,
      %parallel_loop3A_484 = vector.shape_cast %parallel_loop3A_483 : vector<1x1x16xf32> to vector<16xf32>
      %parallel_loop3A_485 = arith.constant 0 : i32
      %parallel_loop3A_486 = arith.addi %parallel_loop3A_466, %parallel_loop3A_485 : i32
      %parallel_loop3A_487 = arith.constant 0 : i32
      %parallel_loop3A_488 = arith.index_cast %parallel_loop3A_487 : i32 to index
      %parallel_loop3A_489 = arith.index_cast %parallel_loop3A_486 : i32 to index
      %parallel_loop3A_490 = arith.index_cast %parallel_loop3A_462 : i32 to index
      %parallel_loop3A_491 = tpu.vector_load %arg12[%parallel_loop3A_488, %parallel_loop3A_489, %parallel_loop3A_490] {strides = array<i32>} : memref<4x32x128xf32, #tpu.memory_space<vmem>>, vector<1x1x16xf32>,
      %parallel_loop3A_492 = vector.shape_cast %parallel_loop3A_491 : vector<1x1x16xf32> to vector<16xf32>
      %parallel_loop3A_493 = arith.mulf %parallel_loop3A_476, %parallel_loop3A_484 : vector<16xf32>
      %parallel_loop3A_494 = arith.mulf %parallel_loop3A_471, %parallel_loop3A_492 : vector<16xf32>
      %parallel_loop3A_495 = arith.addf %parallel_loop3A_493, %parallel_loop3A_494 : vector<16xf32>
      %parallel_loop3A_496 = arith.constant 0 : i32
      %parallel_loop3A_497 = arith.addi %parallel_loop3A_466, %parallel_loop3A_496 : i32
      %parallel_loop3A_498 = arith.constant 0 : i32
      %parallel_loop3A_499 = arith.index_cast %parallel_loop3A_498 : i32 to index
      %parallel_loop3A_500 = arith.index_cast %parallel_loop3A_497 : i32 to index
      %parallel_loop3A_501 = arith.index_cast %parallel_loop3A_462 : i32 to index
      %parallel_loop3A_502 = tpu.vector_load %arg13[%parallel_loop3A_499, %parallel_loop3A_500, %parallel_loop3A_501] {strides = array<i32>} : memref<4x32x128xf32, #tpu.memory_space<vmem>>, vector<1x1x16xf32>,
      %parallel_loop3A_503 = vector.shape_cast %parallel_loop3A_502 : vector<1x1x16xf32> to vector<16xf32>
      %parallel_loop3A_504 = vector.shape_cast %parallel_loop3A_495 : vector<16xf32> to vector<1x1x16xf32>
      tpu.vector_store %arg13[%parallel_loop3A_499, %parallel_loop3A_500, %parallel_loop3A_501], %parallel_loop3A_504 {strides = array<i32>} : memref<4x32x128xf32, #tpu.memory_space<vmem>>, vector<1x1x16xf32>,
      %parallel_loop3A_505 = arith.constant 1 : i32
      %parallel_loop3A_506 = arith.addi %parallel_loop3A_466, %parallel_loop3A_505 : i32
      %parallel_loop3A_507 = arith.constant 0 : i32
      %parallel_loop3A_508 = arith.index_cast %parallel_loop3A_507 : i32 to index
      %parallel_loop3A_509 = arith.index_cast %parallel_loop3A_506 : i32 to index
      %parallel_loop3A_510 = arith.index_cast %parallel_loop3A_462 : i32 to index
      %parallel_loop3A_511 = tpu.vector_load %arg11[%parallel_loop3A_508, %parallel_loop3A_509, %parallel_loop3A_510] {strides = array<i32>} : memref<4x32x128xf32, #tpu.memory_space<vmem>>, vector<1x1x16xf32>,
      %parallel_loop3A_512 = vector.shape_cast %parallel_loop3A_511 : vector<1x1x16xf32> to vector<16xf32>
      %parallel_loop3A_513 = arith.constant 1 : i32
      %parallel_loop3A_514 = arith.addi %parallel_loop3A_466, %parallel_loop3A_513 : i32
      %parallel_loop3A_515 = arith.constant 0 : i32
      %parallel_loop3A_516 = arith.index_cast %parallel_loop3A_515 : i32 to index
      %parallel_loop3A_517 = arith.index_cast %parallel_loop3A_514 : i32 to index
      %parallel_loop3A_518 = arith.index_cast %parallel_loop3A_462 : i32 to index
      %parallel_loop3A_519 = tpu.vector_load %arg12[%parallel_loop3A_516, %parallel_loop3A_517, %parallel_loop3A_518] {strides = array<i32>} : memref<4x32x128xf32, #tpu.memory_space<vmem>>, vector<1x1x16xf32>,
      %parallel_loop3A_520 = vector.shape_cast %parallel_loop3A_519 : vector<1x1x16xf32> to vector<16xf32>
      %parallel_loop3A_521 = arith.mulf %parallel_loop3A_476, %parallel_loop3A_512 : vector<16xf32>
      %parallel_loop3A_522 = arith.mulf %parallel_loop3A_471, %parallel_loop3A_520 : vector<16xf32>
      %parallel_loop3A_523 = arith.addf %parallel_loop3A_521, %parallel_loop3A_522 : vector<16xf32>
      %parallel_loop3A_524 = arith.constant 1 : i32
      %parallel_loop3A_525 = arith.addi %parallel_loop3A_466, %parallel_loop3A_524 : i32
      %parallel_loop3A_526 = arith.constant 0 : i32
      %parallel_loop3A_527 = arith.index_cast %parallel_loop3A_526 : i32 to index
      %parallel_loop3A_528 = arith.index_cast %parallel_loop3A_525 : i32 to index
      %parallel_loop3A_529 = arith.index_cast %parallel_loop3A_462 : i32 to index
      %parallel_loop3A_530 = tpu.vector_load %arg13[%parallel_loop3A_527, %parallel_loop3A_528, %parallel_loop3A_529] {strides = array<i32>} : memref<4x32x128xf32, #tpu.memory_space<vmem>>, vector<1x1x16xf32>,
      %parallel_loop3A_531 = vector.shape_cast %parallel_loop3A_530 : vector<1x1x16xf32> to vector<16xf32>
      %parallel_loop3A_532 = vector.shape_cast %parallel_loop3A_523 : vector<16xf32> to vector<1x1x16xf32>
      tpu.vector_store %arg13[%parallel_loop3A_527, %parallel_loop3A_528, %parallel_loop3A_529], %parallel_loop3A_532 {strides = array<i32>} : memref<4x32x128xf32, #tpu.memory_space<vmem>>, vector<1x1x16xf32>,
    } {sc.loop_unroll_factor = 1 : i64, sc.parallel_access}
    %add3A_201 = arith.constant 0 : i32
    %add3A_202 = arith.addi %mul3A_2, %add3A_201 : i32
    %dma_start3A_203 = arith.constant 0 : i32
    %dma_start3A_204 = arith.constant 0 : i32
    %dma_start3A_205 = arith.constant 0 : i32
    %dma_start3A_206 = tpu.memref_slice %arg13[%dma_start3A_203, %dma_start3A_204, %dma_start3A_205] : memref<4x32x128xf32, #tpu.memory_space<vmem>> -> memref<1x32x128xf32, #tpu.memory_space<vmem>>
    %dma_start3A_207 = tpu.memref_squeeze %dma_start3A_206 : memref<1x32x128xf32, #tpu.memory_space<vmem>> -> memref<32x128xf32, #tpu.memory_space<vmem>>
    %dma_start3A_208 = arith.constant 0 : i32
    %dma_start3A_209 = arith.constant 0 : i32
    %dma_start3A_210 = tpu.memref_slice %arg7[%add3A_202, %dma_start3A_208, %dma_start3A_209] : memref<128x32x128xf32, #tpu.memory_space<hbm>> -> memref<1x32x128xf32, #tpu.memory_space<hbm>>
    %dma_start3A_211 = tpu.memref_squeeze %dma_start3A_210 : memref<1x32x128xf32, #tpu.memory_space<hbm>> -> memref<32x128xf32, #tpu.memory_space<hbm>>
    %dma_start3A_212 = arith.constant 0 : i32
    %dma_start3A_213 = arith.constant 0 : i32
    %dma_start3A_214 = tpu.memref_slice %arg7[%add3A_202, %dma_start3A_212, %dma_start3A_213] : memref<128x32x128xf32, #tpu.memory_space<hbm>> -> memref<1x32x128xf32, #tpu.memory_space<hbm>>
    %dma_start3A_215 = tpu.memref_squeeze %dma_start3A_214 : memref<1x32x128xf32, #tpu.memory_space<hbm>> -> memref<32x128xf32, #tpu.memory_space<hbm>>
    %dma_start3A_216 = arith.constant 0 : i32
    %dma_start3A_217 = arith.constant 0 : i32
    %dma_start3A_218 = tpu.memref_slice %arg13[%dma_start3A_203, %dma_start3A_216, %dma_start3A_217] : memref<4x32x128xf32, #tpu.memory_space<vmem>> -> memref<1x32x128xf32, #tpu.memory_space<vmem>>
    %dma_start3A_219 = tpu.memref_squeeze %dma_start3A_218 : memref<1x32x128xf32, #tpu.memory_space<vmem>> -> memref<32x128xf32, #tpu.memory_space<vmem>>
    tpu.enqueue_dma source(%dma_start3A_219 : memref<32x128xf32, #tpu.memory_space<vmem>>) target(%dma_start3A_215 : memref<32x128xf32, #tpu.memory_space<hbm>>) target_semaphore(%arg19 : memref<!tpu.dma_semaphore, #tpu.memory_space<semaphore_mem>>)
    %dma_wait3A_220 = arith.constant 1 : i32
    %dma_wait3A_221 = arith.constant 0 : i32
    %dma_wait3A_222 = arith.constant 0 : i32
    %dma_wait3A_223 = tpu.memref_slice %arg11[%dma_wait3A_220, %dma_wait3A_221, %dma_wait3A_222] : memref<4x32x128xf32, #tpu.memory_space<vmem>> -> memref<1x32x128xf32, #tpu.memory_space<vmem>>
    %dma_wait3A_224 = tpu.memref_squeeze %dma_wait3A_223 : memref<1x32x128xf32, #tpu.memory_space<vmem>> -> memref<32x128xf32, #tpu.memory_space<vmem>>
    %dma_wait3A_225 = arith.constant 0 : i32
    %dma_wait3A_226 = arith.constant 0 : i32
    %dma_wait3A_227 = tpu.memref_slice %arg5[%add3A_41, %dma_wait3A_225, %dma_wait3A_226] : memref<128x32x128xf32, #tpu.memory_space<hbm>> -> memref<1x32x128xf32, #tpu.memory_space<hbm>>
    %dma_wait3A_228 = tpu.memref_squeeze %dma_wait3A_227 : memref<1x32x128xf32, #tpu.memory_space<hbm>> -> memref<32x128xf32, #tpu.memory_space<hbm>>
    %dma_wait3A_229 = arith.constant 0 : i32
    %dma_wait3A_230 = arith.constant 0 : i32
    %dma_wait3A_231 = tpu.memref_slice %arg11[%dma_wait3A_220, %dma_wait3A_229, %dma_wait3A_230] : memref<4x32x128xf32, #tpu.memory_space<vmem>> -> memref<1x32x128xf32, #tpu.memory_space<vmem>>
    %dma_wait3A_232 = tpu.memref_squeeze %dma_wait3A_231 : memref<1x32x128xf32, #tpu.memory_space<vmem>> -> memref<32x128xf32, #tpu.memory_space<vmem>>
    %dma_wait3A_233 = arith.constant 0 : i32
    %dma_wait3A_234 = arith.constant 0 : i32
    %dma_wait3A_235 = tpu.memref_slice %arg5[%add3A_41, %dma_wait3A_233, %dma_wait3A_234] : memref<128x32x128xf32, #tpu.memory_space<hbm>> -> memref<1x32x128xf32, #tpu.memory_space<hbm>>
    %dma_wait3A_236 = tpu.memref_squeeze %dma_wait3A_235 : memref<1x32x128xf32, #tpu.memory_space<hbm>> -> memref<32x128xf32, #tpu.memory_space<hbm>>
    tpu.wait_dma2 semaphore(%arg16 : memref<!tpu.dma_semaphore, #tpu.memory_space<semaphore_mem>>) src(%dma_wait3A_236 : memref<32x128xf32, #tpu.memory_space<hbm>>) dst(%dma_wait3A_232 : memref<32x128xf32, #tpu.memory_space<vmem>>)
    %dma_wait3A_237 = arith.constant 1 : i32
    %dma_wait3A_238 = arith.constant 0 : i32
    %dma_wait3A_239 = arith.constant 0 : i32
    %dma_wait3A_240 = tpu.memref_slice %arg12[%dma_wait3A_237, %dma_wait3A_238, %dma_wait3A_239] : memref<4x32x128xf32, #tpu.memory_space<vmem>> -> memref<1x32x128xf32, #tpu.memory_space<vmem>>
    %dma_wait3A_241 = tpu.memref_squeeze %dma_wait3A_240 : memref<1x32x128xf32, #tpu.memory_space<vmem>> -> memref<32x128xf32, #tpu.memory_space<vmem>>
    %dma_wait3A_242 = arith.constant 0 : i32
    %dma_wait3A_243 = arith.constant 0 : i32
    %dma_wait3A_244 = tpu.memref_slice %arg6[%add3A_60, %dma_wait3A_242, %dma_wait3A_243] : memref<128x32x128xf32, #tpu.memory_space<hbm>> -> memref<1x32x128xf32, #tpu.memory_space<hbm>>
    %dma_wait3A_245 = tpu.memref_squeeze %dma_wait3A_244 : memref<1x32x128xf32, #tpu.memory_space<hbm>> -> memref<32x128xf32, #tpu.memory_space<hbm>>
    %dma_wait3A_246 = arith.constant 0 : i32
    %dma_wait3A_247 = arith.constant 0 : i32
    %dma_wait3A_248 = tpu.memref_slice %arg12[%dma_wait3A_237, %dma_wait3A_246, %dma_wait3A_247] : memref<4x32x128xf32, #tpu.memory_space<vmem>> -> memref<1x32x128xf32, #tpu.memory_space<vmem>>
    %dma_wait3A_249 = tpu.memref_squeeze %dma_wait3A_248 : memref<1x32x128xf32, #tpu.memory_space<vmem>> -> memref<32x128xf32, #tpu.memory_space<vmem>>
    %dma_wait3A_250 = arith.constant 0 : i32
    %dma_wait3A_251 = arith.constant 0 : i32
    %dma_wait3A_252 = tpu.memref_slice %arg6[%add3A_60, %dma_wait3A_250, %dma_wait3A_251] : memref<128x32x128xf32, #tpu.memory_space<hbm>> -> memref<1x32x128xf32, #tpu.memory_space<hbm>>
    %dma_wait3A_253 = tpu.memref_squeeze %dma_wait3A_252 : memref<1x32x128xf32, #tpu.memory_space<hbm>> -> memref<32x128xf32, #tpu.memory_space<hbm>>
    tpu.wait_dma2 semaphore(%arg16 : memref<!tpu.dma_semaphore, #tpu.memory_space<semaphore_mem>>) src(%dma_wait3A_253 : memref<32x128xf32, #tpu.memory_space<hbm>>) dst(%dma_wait3A_249 : memref<32x128xf32, #tpu.memory_space<vmem>>)
    %parallel_loop3A_254 = arith.constant 0 : i32
    %parallel_loop3A_255 = arith.constant 128 : i32
    %parallel_loop3A_256 = arith.constant 1 : i32
    scf.for %parallel_loop3A_456 = %parallel_loop3A_254 to %parallel_loop3A_255 step %parallel_loop3A_256  : i32 {
      %parallel_loop3A_457 = arith.constant 16 : i32
      %parallel_loop3A_458 = arith.muli %parallel_loop3A_456, %parallel_loop3A_457 : i32
      %parallel_loop3A_459 = arith.constant 7 : i32
      %parallel_loop3A_460 = arith.andi %parallel_loop3A_456, %parallel_loop3A_459 : i32
      %parallel_loop3A_461 = arith.constant 16 : i32
      %parallel_loop3A_462 = arith.muli %parallel_loop3A_460, %parallel_loop3A_461 : i32
      %parallel_loop3A_463 = arith.constant 3 : i32
      %parallel_loop3A_464 = arith.shrsi %parallel_loop3A_456, %parallel_loop3A_463 : i32
      %parallel_loop3A_465 = arith.constant 2 : i32
      %parallel_loop3A_466 = arith.muli %parallel_loop3A_464, %parallel_loop3A_465 : i32
      %parallel_loop3A_467 = arith.constant 1 : i32
      %parallel_loop3A_468 = arith.index_cast %parallel_loop3A_467 : i32 to index
      %parallel_loop3A_469 = arith.index_cast %parallel_loop3A_458 : i32 to index
      %parallel_loop3A_470 = tpu.vector_load %arg9[%parallel_loop3A_468, %parallel_loop3A_469] {strides = array<i32>} : memref<4x2048xf32, #tpu.memory_space<vmem>>, vector<1x16xf32>,
      %parallel_loop3A_471 = vector.shape_cast %parallel_loop3A_470 : vector<1x16xf32> to vector<16xf32>
      %parallel_loop3A_472 = arith.constant 1 : i32
      %parallel_loop3A_473 = arith.index_cast %parallel_loop3A_472 : i32 to index
      %parallel_loop3A_474 = arith.index_cast %parallel_loop3A_458 : i32 to index
      %parallel_loop3A_475 = tpu.vector_load %arg10[%parallel_loop3A_473, %parallel_loop3A_474] {strides = array<i32>} : memref<4x2048xf32, #tpu.memory_space<vmem>>, vector<1x16xf32>,
      %parallel_loop3A_476 = vector.shape_cast %parallel_loop3A_475 : vector<1x16xf32> to vector<16xf32>
      %parallel_loop3A_477 = arith.constant 0 : i32
      %parallel_loop3A_478 = arith.addi %parallel_loop3A_466, %parallel_loop3A_477 : i32
      %parallel_loop3A_479 = arith.constant 1 : i32
      %parallel_loop3A_480 = arith.index_cast %parallel_loop3A_479 : i32 to index
      %parallel_loop3A_481 = arith.index_cast %parallel_loop3A_478 : i32 to index
      %parallel_loop3A_482 = arith.index_cast %parallel_loop3A_462 : i32 to index
      %parallel_loop3A_483 = tpu.vector_load %arg11[%parallel_loop3A_480, %parallel_loop3A_481, %parallel_loop3A_482] {strides = array<i32>} : memref<4x32x128xf32, #tpu.memory_space<vmem>>, vector<1x1x16xf32>,
      %parallel_loop3A_484 = vector.shape_cast %parallel_loop3A_483 : vector<1x1x16xf32> to vector<16xf32>
      %parallel_loop3A_485 = arith.constant 0 : i32
      %parallel_loop3A_486 = arith.addi %parallel_loop3A_466, %parallel_loop3A_485 : i32
      %parallel_loop3A_487 = arith.constant 1 : i32
      %parallel_loop3A_488 = arith.index_cast %parallel_loop3A_487 : i32 to index
      %parallel_loop3A_489 = arith.index_cast %parallel_loop3A_486 : i32 to index
      %parallel_loop3A_490 = arith.index_cast %parallel_loop3A_462 : i32 to index
      %parallel_loop3A_491 = tpu.vector_load %arg12[%parallel_loop3A_488, %parallel_loop3A_489, %parallel_loop3A_490] {strides = array<i32>} : memref<4x32x128xf32, #tpu.memory_space<vmem>>, vector<1x1x16xf32>,
      %parallel_loop3A_492 = vector.shape_cast %parallel_loop3A_491 : vector<1x1x16xf32> to vector<16xf32>
      %parallel_loop3A_493 = arith.mulf %parallel_loop3A_476, %parallel_loop3A_484 : vector<16xf32>
      %parallel_loop3A_494 = arith.mulf %parallel_loop3A_471, %parallel_loop3A_492 : vector<16xf32>
      %parallel_loop3A_495 = arith.addf %parallel_loop3A_493, %parallel_loop3A_494 : vector<16xf32>
      %parallel_loop3A_496 = arith.constant 0 : i32
      %parallel_loop3A_497 = arith.addi %parallel_loop3A_466, %parallel_loop3A_496 : i32
      %parallel_loop3A_498 = arith.constant 1 : i32
      %parallel_loop3A_499 = arith.index_cast %parallel_loop3A_498 : i32 to index
      %parallel_loop3A_500 = arith.index_cast %parallel_loop3A_497 : i32 to index
      %parallel_loop3A_501 = arith.index_cast %parallel_loop3A_462 : i32 to index
      %parallel_loop3A_502 = tpu.vector_load %arg13[%parallel_loop3A_499, %parallel_loop3A_500, %parallel_loop3A_501] {strides = array<i32>} : memref<4x32x128xf32, #tpu.memory_space<vmem>>, vector<1x1x16xf32>,
      %parallel_loop3A_503 = vector.shape_cast %parallel_loop3A_502 : vector<1x1x16xf32> to vector<16xf32>
      %parallel_loop3A_504 = vector.shape_cast %parallel_loop3A_495 : vector<16xf32> to vector<1x1x16xf32>
      tpu.vector_store %arg13[%parallel_loop3A_499, %parallel_loop3A_500, %parallel_loop3A_501], %parallel_loop3A_504 {strides = array<i32>} : memref<4x32x128xf32, #tpu.memory_space<vmem>>, vector<1x1x16xf32>,
      %parallel_loop3A_505 = arith.constant 1 : i32
      %parallel_loop3A_506 = arith.addi %parallel_loop3A_466, %parallel_loop3A_505 : i32
      %parallel_loop3A_507 = arith.constant 1 : i32
      %parallel_loop3A_508 = arith.index_cast %parallel_loop3A_507 : i32 to index
      %parallel_loop3A_509 = arith.index_cast %parallel_loop3A_506 : i32 to index
      %parallel_loop3A_510 = arith.index_cast %parallel_loop3A_462 : i32 to index
      %parallel_loop3A_511 = tpu.vector_load %arg11[%parallel_loop3A_508, %parallel_loop3A_509, %parallel_loop3A_510] {strides = array<i32>} : memref<4x32x128xf32, #tpu.memory_space<vmem>>, vector<1x1x16xf32>,
      %parallel_loop3A_512 = vector.shape_cast %parallel_loop3A_511 : vector<1x1x16xf32> to vector<16xf32>
      %parallel_loop3A_513 = arith.constant 1 : i32
      %parallel_loop3A_514 = arith.addi %parallel_loop3A_466, %parallel_loop3A_513 : i32
      %parallel_loop3A_515 = arith.constant 1 : i32
      %parallel_loop3A_516 = arith.index_cast %parallel_loop3A_515 : i32 to index
      %parallel_loop3A_517 = arith.index_cast %parallel_loop3A_514 : i32 to index
      %parallel_loop3A_518 = arith.index_cast %parallel_loop3A_462 : i32 to index
      %parallel_loop3A_519 = tpu.vector_load %arg12[%parallel_loop3A_516, %parallel_loop3A_517, %parallel_loop3A_518] {strides = array<i32>} : memref<4x32x128xf32, #tpu.memory_space<vmem>>, vector<1x1x16xf32>,
      %parallel_loop3A_520 = vector.shape_cast %parallel_loop3A_519 : vector<1x1x16xf32> to vector<16xf32>
      %parallel_loop3A_521 = arith.mulf %parallel_loop3A_476, %parallel_loop3A_512 : vector<16xf32>
      %parallel_loop3A_522 = arith.mulf %parallel_loop3A_471, %parallel_loop3A_520 : vector<16xf32>
      %parallel_loop3A_523 = arith.addf %parallel_loop3A_521, %parallel_loop3A_522 : vector<16xf32>
      %parallel_loop3A_524 = arith.constant 1 : i32
      %parallel_loop3A_525 = arith.addi %parallel_loop3A_466, %parallel_loop3A_524 : i32
      %parallel_loop3A_526 = arith.constant 1 : i32
      %parallel_loop3A_527 = arith.index_cast %parallel_loop3A_526 : i32 to index
      %parallel_loop3A_528 = arith.index_cast %parallel_loop3A_525 : i32 to index
      %parallel_loop3A_529 = arith.index_cast %parallel_loop3A_462 : i32 to index
      %parallel_loop3A_530 = tpu.vector_load %arg13[%parallel_loop3A_527, %parallel_loop3A_528, %parallel_loop3A_529] {strides = array<i32>} : memref<4x32x128xf32, #tpu.memory_space<vmem>>, vector<1x1x16xf32>,
      %parallel_loop3A_531 = vector.shape_cast %parallel_loop3A_530 : vector<1x1x16xf32> to vector<16xf32>
      %parallel_loop3A_532 = vector.shape_cast %parallel_loop3A_523 : vector<16xf32> to vector<1x1x16xf32>
      tpu.vector_store %arg13[%parallel_loop3A_527, %parallel_loop3A_528, %parallel_loop3A_529], %parallel_loop3A_532 {strides = array<i32>} : memref<4x32x128xf32, #tpu.memory_space<vmem>>, vector<1x1x16xf32>,
    } {sc.loop_unroll_factor = 1 : i64, sc.parallel_access}
    %add3A_257 = arith.constant 1 : i32
    %add3A_258 = arith.addi %mul3A_2, %add3A_257 : i32
    %dma_start3A_259 = arith.constant 1 : i32
    %dma_start3A_260 = arith.constant 0 : i32
    %dma_start3A_261 = arith.constant 0 : i32
    %dma_start3A_262 = tpu.memref_slice %arg13[%dma_start3A_259, %dma_start3A_260, %dma_start3A_261] : memref<4x32x128xf32, #tpu.memory_space<vmem>> -> memref<1x32x128xf32, #tpu.memory_space<vmem>>
    %dma_start3A_263 = tpu.memref_squeeze %dma_start3A_262 : memref<1x32x128xf32, #tpu.memory_space<vmem>> -> memref<32x128xf32, #tpu.memory_space<vmem>>
    %dma_start3A_264 = arith.constant 0 : i32
    %dma_start3A_265 = arith.constant 0 : i32
    %dma_start3A_266 = tpu.memref_slice %arg7[%add3A_258, %dma_start3A_264, %dma_start3A_265] : memref<128x32x128xf32, #tpu.memory_space<hbm>> -> memref<1x32x128xf32, #tpu.memory_space<hbm>>
    %dma_start3A_267 = tpu.memref_squeeze %dma_start3A_266 : memref<1x32x128xf32, #tpu.memory_space<hbm>> -> memref<32x128xf32, #tpu.memory_space<hbm>>
    %dma_start3A_268 = arith.constant 0 : i32
    %dma_start3A_269 = arith.constant 0 : i32
    %dma_start3A_270 = tpu.memref_slice %arg7[%add3A_258, %dma_start3A_268, %dma_start3A_269] : memref<128x32x128xf32, #tpu.memory_space<hbm>> -> memref<1x32x128xf32, #tpu.memory_space<hbm>>
    %dma_start3A_271 = tpu.memref_squeeze %dma_start3A_270 : memref<1x32x128xf32, #tpu.memory_space<hbm>> -> memref<32x128xf32, #tpu.memory_space<hbm>>
    %dma_start3A_272 = arith.constant 0 : i32
    %dma_start3A_273 = arith.constant 0 : i32
    %dma_start3A_274 = tpu.memref_slice %arg13[%dma_start3A_259, %dma_start3A_272, %dma_start3A_273] : memref<4x32x128xf32, #tpu.memory_space<vmem>> -> memref<1x32x128xf32, #tpu.memory_space<vmem>>
    %dma_start3A_275 = tpu.memref_squeeze %dma_start3A_274 : memref<1x32x128xf32, #tpu.memory_space<vmem>> -> memref<32x128xf32, #tpu.memory_space<vmem>>
    tpu.enqueue_dma source(%dma_start3A_275 : memref<32x128xf32, #tpu.memory_space<vmem>>) target(%dma_start3A_271 : memref<32x128xf32, #tpu.memory_space<hbm>>) target_semaphore(%arg19 : memref<!tpu.dma_semaphore, #tpu.memory_space<semaphore_mem>>)
    %dma_wait3A_276 = arith.constant 2 : i32
    %dma_wait3A_277 = arith.constant 0 : i32
    %dma_wait3A_278 = arith.constant 0 : i32
    %dma_wait3A_279 = tpu.memref_slice %arg11[%dma_wait3A_276, %dma_wait3A_277, %dma_wait3A_278] : memref<4x32x128xf32, #tpu.memory_space<vmem>> -> memref<1x32x128xf32, #tpu.memory_space<vmem>>
    %dma_wait3A_280 = tpu.memref_squeeze %dma_wait3A_279 : memref<1x32x128xf32, #tpu.memory_space<vmem>> -> memref<32x128xf32, #tpu.memory_space<vmem>>
    %dma_wait3A_281 = arith.constant 0 : i32
    %dma_wait3A_282 = arith.constant 0 : i32
    %dma_wait3A_283 = tpu.memref_slice %arg5[%add3A_79, %dma_wait3A_281, %dma_wait3A_282] : memref<128x32x128xf32, #tpu.memory_space<hbm>> -> memref<1x32x128xf32, #tpu.memory_space<hbm>>
    %dma_wait3A_284 = tpu.memref_squeeze %dma_wait3A_283 : memref<1x32x128xf32, #tpu.memory_space<hbm>> -> memref<32x128xf32, #tpu.memory_space<hbm>>
    %dma_wait3A_285 = arith.constant 0 : i32
    %dma_wait3A_286 = arith.constant 0 : i32
    %dma_wait3A_287 = tpu.memref_slice %arg11[%dma_wait3A_276, %dma_wait3A_285, %dma_wait3A_286] : memref<4x32x128xf32, #tpu.memory_space<vmem>> -> memref<1x32x128xf32, #tpu.memory_space<vmem>>
    %dma_wait3A_288 = tpu.memref_squeeze %dma_wait3A_287 : memref<1x32x128xf32, #tpu.memory_space<vmem>> -> memref<32x128xf32, #tpu.memory_space<vmem>>
    %dma_wait3A_289 = arith.constant 0 : i32
    %dma_wait3A_290 = arith.constant 0 : i32
    %dma_wait3A_291 = tpu.memref_slice %arg5[%add3A_79, %dma_wait3A_289, %dma_wait3A_290] : memref<128x32x128xf32, #tpu.memory_space<hbm>> -> memref<1x32x128xf32, #tpu.memory_space<hbm>>
    %dma_wait3A_292 = tpu.memref_squeeze %dma_wait3A_291 : memref<1x32x128xf32, #tpu.memory_space<hbm>> -> memref<32x128xf32, #tpu.memory_space<hbm>>
    tpu.wait_dma2 semaphore(%arg17 : memref<!tpu.dma_semaphore, #tpu.memory_space<semaphore_mem>>) src(%dma_wait3A_292 : memref<32x128xf32, #tpu.memory_space<hbm>>) dst(%dma_wait3A_288 : memref<32x128xf32, #tpu.memory_space<vmem>>)
    %dma_wait3A_293 = arith.constant 2 : i32
    %dma_wait3A_294 = arith.constant 0 : i32
    %dma_wait3A_295 = arith.constant 0 : i32
    %dma_wait3A_296 = tpu.memref_slice %arg12[%dma_wait3A_293, %dma_wait3A_294, %dma_wait3A_295] : memref<4x32x128xf32, #tpu.memory_space<vmem>> -> memref<1x32x128xf32, #tpu.memory_space<vmem>>
    %dma_wait3A_297 = tpu.memref_squeeze %dma_wait3A_296 : memref<1x32x128xf32, #tpu.memory_space<vmem>> -> memref<32x128xf32, #tpu.memory_space<vmem>>
    %dma_wait3A_298 = arith.constant 0 : i32
    %dma_wait3A_299 = arith.constant 0 : i32
    %dma_wait3A_300 = tpu.memref_slice %arg6[%add3A_98, %dma_wait3A_298, %dma_wait3A_299] : memref<128x32x128xf32, #tpu.memory_space<hbm>> -> memref<1x32x128xf32, #tpu.memory_space<hbm>>
    %dma_wait3A_301 = tpu.memref_squeeze %dma_wait3A_300 : memref<1x32x128xf32, #tpu.memory_space<hbm>> -> memref<32x128xf32, #tpu.memory_space<hbm>>
    %dma_wait3A_302 = arith.constant 0 : i32
    %dma_wait3A_303 = arith.constant 0 : i32
    %dma_wait3A_304 = tpu.memref_slice %arg12[%dma_wait3A_293, %dma_wait3A_302, %dma_wait3A_303] : memref<4x32x128xf32, #tpu.memory_space<vmem>> -> memref<1x32x128xf32, #tpu.memory_space<vmem>>
    %dma_wait3A_305 = tpu.memref_squeeze %dma_wait3A_304 : memref<1x32x128xf32, #tpu.memory_space<vmem>> -> memref<32x128xf32, #tpu.memory_space<vmem>>
    %dma_wait3A_306 = arith.constant 0 : i32
    %dma_wait3A_307 = arith.constant 0 : i32
    %dma_wait3A_308 = tpu.memref_slice %arg6[%add3A_98, %dma_wait3A_306, %dma_wait3A_307] : memref<128x32x128xf32, #tpu.memory_space<hbm>> -> memref<1x32x128xf32, #tpu.memory_space<hbm>>
    %dma_wait3A_309 = tpu.memref_squeeze %dma_wait3A_308 : memref<1x32x128xf32, #tpu.memory_space<hbm>> -> memref<32x128xf32, #tpu.memory_space<hbm>>
    tpu.wait_dma2 semaphore(%arg17 : memref<!tpu.dma_semaphore, #tpu.memory_space<semaphore_mem>>) src(%dma_wait3A_309 : memref<32x128xf32, #tpu.memory_space<hbm>>) dst(%dma_wait3A_305 : memref<32x128xf32, #tpu.memory_space<vmem>>)
    %parallel_loop3A_310 = arith.constant 0 : i32
    %parallel_loop3A_311 = arith.constant 128 : i32
    %parallel_loop3A_312 = arith.constant 1 : i32
    scf.for %parallel_loop3A_456 = %parallel_loop3A_310 to %parallel_loop3A_311 step %parallel_loop3A_312  : i32 {
      %parallel_loop3A_457 = arith.constant 16 : i32
      %parallel_loop3A_458 = arith.muli %parallel_loop3A_456, %parallel_loop3A_457 : i32
      %parallel_loop3A_459 = arith.constant 7 : i32
      %parallel_loop3A_460 = arith.andi %parallel_loop3A_456, %parallel_loop3A_459 : i32
      %parallel_loop3A_461 = arith.constant 16 : i32
      %parallel_loop3A_462 = arith.muli %parallel_loop3A_460, %parallel_loop3A_461 : i32
      %parallel_loop3A_463 = arith.constant 3 : i32
      %parallel_loop3A_464 = arith.shrsi %parallel_loop3A_456, %parallel_loop3A_463 : i32
      %parallel_loop3A_465 = arith.constant 2 : i32
      %parallel_loop3A_466 = arith.muli %parallel_loop3A_464, %parallel_loop3A_465 : i32
      %parallel_loop3A_467 = arith.constant 2 : i32
      %parallel_loop3A_468 = arith.index_cast %parallel_loop3A_467 : i32 to index
      %parallel_loop3A_469 = arith.index_cast %parallel_loop3A_458 : i32 to index
      %parallel_loop3A_470 = tpu.vector_load %arg9[%parallel_loop3A_468, %parallel_loop3A_469] {strides = array<i32>} : memref<4x2048xf32, #tpu.memory_space<vmem>>, vector<1x16xf32>,
      %parallel_loop3A_471 = vector.shape_cast %parallel_loop3A_470 : vector<1x16xf32> to vector<16xf32>
      %parallel_loop3A_472 = arith.constant 2 : i32
      %parallel_loop3A_473 = arith.index_cast %parallel_loop3A_472 : i32 to index
      %parallel_loop3A_474 = arith.index_cast %parallel_loop3A_458 : i32 to index
      %parallel_loop3A_475 = tpu.vector_load %arg10[%parallel_loop3A_473, %parallel_loop3A_474] {strides = array<i32>} : memref<4x2048xf32, #tpu.memory_space<vmem>>, vector<1x16xf32>,
      %parallel_loop3A_476 = vector.shape_cast %parallel_loop3A_475 : vector<1x16xf32> to vector<16xf32>
      %parallel_loop3A_477 = arith.constant 0 : i32
      %parallel_loop3A_478 = arith.addi %parallel_loop3A_466, %parallel_loop3A_477 : i32
      %parallel_loop3A_479 = arith.constant 2 : i32
      %parallel_loop3A_480 = arith.index_cast %parallel_loop3A_479 : i32 to index
      %parallel_loop3A_481 = arith.index_cast %parallel_loop3A_478 : i32 to index
      %parallel_loop3A_482 = arith.index_cast %parallel_loop3A_462 : i32 to index
      %parallel_loop3A_483 = tpu.vector_load %arg11[%parallel_loop3A_480, %parallel_loop3A_481, %parallel_loop3A_482] {strides = array<i32>} : memref<4x32x128xf32, #tpu.memory_space<vmem>>, vector<1x1x16xf32>,
      %parallel_loop3A_484 = vector.shape_cast %parallel_loop3A_483 : vector<1x1x16xf32> to vector<16xf32>
      %parallel_loop3A_485 = arith.constant 0 : i32
      %parallel_loop3A_486 = arith.addi %parallel_loop3A_466, %parallel_loop3A_485 : i32
      %parallel_loop3A_487 = arith.constant 2 : i32
      %parallel_loop3A_488 = arith.index_cast %parallel_loop3A_487 : i32 to index
      %parallel_loop3A_489 = arith.index_cast %parallel_loop3A_486 : i32 to index
      %parallel_loop3A_490 = arith.index_cast %parallel_loop3A_462 : i32 to index
      %parallel_loop3A_491 = tpu.vector_load %arg12[%parallel_loop3A_488, %parallel_loop3A_489, %parallel_loop3A_490] {strides = array<i32>} : memref<4x32x128xf32, #tpu.memory_space<vmem>>, vector<1x1x16xf32>,
      %parallel_loop3A_492 = vector.shape_cast %parallel_loop3A_491 : vector<1x1x16xf32> to vector<16xf32>
      %parallel_loop3A_493 = arith.mulf %parallel_loop3A_476, %parallel_loop3A_484 : vector<16xf32>
      %parallel_loop3A_494 = arith.mulf %parallel_loop3A_471, %parallel_loop3A_492 : vector<16xf32>
      %parallel_loop3A_495 = arith.addf %parallel_loop3A_493, %parallel_loop3A_494 : vector<16xf32>
      %parallel_loop3A_496 = arith.constant 0 : i32
      %parallel_loop3A_497 = arith.addi %parallel_loop3A_466, %parallel_loop3A_496 : i32
      %parallel_loop3A_498 = arith.constant 2 : i32
      %parallel_loop3A_499 = arith.index_cast %parallel_loop3A_498 : i32 to index
      %parallel_loop3A_500 = arith.index_cast %parallel_loop3A_497 : i32 to index
      %parallel_loop3A_501 = arith.index_cast %parallel_loop3A_462 : i32 to index
      %parallel_loop3A_502 = tpu.vector_load %arg13[%parallel_loop3A_499, %parallel_loop3A_500, %parallel_loop3A_501] {strides = array<i32>} : memref<4x32x128xf32, #tpu.memory_space<vmem>>, vector<1x1x16xf32>,
      %parallel_loop3A_503 = vector.shape_cast %parallel_loop3A_502 : vector<1x1x16xf32> to vector<16xf32>
      %parallel_loop3A_504 = vector.shape_cast %parallel_loop3A_495 : vector<16xf32> to vector<1x1x16xf32>
      tpu.vector_store %arg13[%parallel_loop3A_499, %parallel_loop3A_500, %parallel_loop3A_501], %parallel_loop3A_504 {strides = array<i32>} : memref<4x32x128xf32, #tpu.memory_space<vmem>>, vector<1x1x16xf32>,
      %parallel_loop3A_505 = arith.constant 1 : i32
      %parallel_loop3A_506 = arith.addi %parallel_loop3A_466, %parallel_loop3A_505 : i32
      %parallel_loop3A_507 = arith.constant 2 : i32
      %parallel_loop3A_508 = arith.index_cast %parallel_loop3A_507 : i32 to index
      %parallel_loop3A_509 = arith.index_cast %parallel_loop3A_506 : i32 to index
      %parallel_loop3A_510 = arith.index_cast %parallel_loop3A_462 : i32 to index
      %parallel_loop3A_511 = tpu.vector_load %arg11[%parallel_loop3A_508, %parallel_loop3A_509, %parallel_loop3A_510] {strides = array<i32>} : memref<4x32x128xf32, #tpu.memory_space<vmem>>, vector<1x1x16xf32>,
      %parallel_loop3A_512 = vector.shape_cast %parallel_loop3A_511 : vector<1x1x16xf32> to vector<16xf32>
      %parallel_loop3A_513 = arith.constant 1 : i32
      %parallel_loop3A_514 = arith.addi %parallel_loop3A_466, %parallel_loop3A_513 : i32
      %parallel_loop3A_515 = arith.constant 2 : i32
      %parallel_loop3A_516 = arith.index_cast %parallel_loop3A_515 : i32 to index
      %parallel_loop3A_517 = arith.index_cast %parallel_loop3A_514 : i32 to index
      %parallel_loop3A_518 = arith.index_cast %parallel_loop3A_462 : i32 to index
      %parallel_loop3A_519 = tpu.vector_load %arg12[%parallel_loop3A_516, %parallel_loop3A_517, %parallel_loop3A_518] {strides = array<i32>} : memref<4x32x128xf32, #tpu.memory_space<vmem>>, vector<1x1x16xf32>,
      %parallel_loop3A_520 = vector.shape_cast %parallel_loop3A_519 : vector<1x1x16xf32> to vector<16xf32>
      %parallel_loop3A_521 = arith.mulf %parallel_loop3A_476, %parallel_loop3A_512 : vector<16xf32>
      %parallel_loop3A_522 = arith.mulf %parallel_loop3A_471, %parallel_loop3A_520 : vector<16xf32>
      %parallel_loop3A_523 = arith.addf %parallel_loop3A_521, %parallel_loop3A_522 : vector<16xf32>
      %parallel_loop3A_524 = arith.constant 1 : i32
      %parallel_loop3A_525 = arith.addi %parallel_loop3A_466, %parallel_loop3A_524 : i32
      %parallel_loop3A_526 = arith.constant 2 : i32
      %parallel_loop3A_527 = arith.index_cast %parallel_loop3A_526 : i32 to index
      %parallel_loop3A_528 = arith.index_cast %parallel_loop3A_525 : i32 to index
      %parallel_loop3A_529 = arith.index_cast %parallel_loop3A_462 : i32 to index
      %parallel_loop3A_530 = tpu.vector_load %arg13[%parallel_loop3A_527, %parallel_loop3A_528, %parallel_loop3A_529] {strides = array<i32>} : memref<4x32x128xf32, #tpu.memory_space<vmem>>, vector<1x1x16xf32>,
      %parallel_loop3A_531 = vector.shape_cast %parallel_loop3A_530 : vector<1x1x16xf32> to vector<16xf32>
      %parallel_loop3A_532 = vector.shape_cast %parallel_loop3A_523 : vector<16xf32> to vector<1x1x16xf32>
      tpu.vector_store %arg13[%parallel_loop3A_527, %parallel_loop3A_528, %parallel_loop3A_529], %parallel_loop3A_532 {strides = array<i32>} : memref<4x32x128xf32, #tpu.memory_space<vmem>>, vector<1x1x16xf32>,
    } {sc.loop_unroll_factor = 1 : i64, sc.parallel_access}
    %add3A_313 = arith.constant 2 : i32
    %add3A_314 = arith.addi %mul3A_2, %add3A_313 : i32
    %dma_start3A_315 = arith.constant 2 : i32
    %dma_start3A_316 = arith.constant 0 : i32
    %dma_start3A_317 = arith.constant 0 : i32
    %dma_start3A_318 = tpu.memref_slice %arg13[%dma_start3A_315, %dma_start3A_316, %dma_start3A_317] : memref<4x32x128xf32, #tpu.memory_space<vmem>> -> memref<1x32x128xf32, #tpu.memory_space<vmem>>
    %dma_start3A_319 = tpu.memref_squeeze %dma_start3A_318 : memref<1x32x128xf32, #tpu.memory_space<vmem>> -> memref<32x128xf32, #tpu.memory_space<vmem>>
    %dma_start3A_320 = arith.constant 0 : i32
    %dma_start3A_321 = arith.constant 0 : i32
    %dma_start3A_322 = tpu.memref_slice %arg7[%add3A_314, %dma_start3A_320, %dma_start3A_321] : memref<128x32x128xf32, #tpu.memory_space<hbm>> -> memref<1x32x128xf32, #tpu.memory_space<hbm>>
    %dma_start3A_323 = tpu.memref_squeeze %dma_start3A_322 : memref<1x32x128xf32, #tpu.memory_space<hbm>> -> memref<32x128xf32, #tpu.memory_space<hbm>>
    %dma_start3A_324 = arith.constant 0 : i32
    %dma_start3A_325 = arith.constant 0 : i32
    %dma_start3A_326 = tpu.memref_slice %arg7[%add3A_314, %dma_start3A_324, %dma_start3A_325] : memref<128x32x128xf32, #tpu.memory_space<hbm>> -> memref<1x32x128xf32, #tpu.memory_space<hbm>>
    %dma_start3A_327 = tpu.memref_squeeze %dma_start3A_326 : memref<1x32x128xf32, #tpu.memory_space<hbm>> -> memref<32x128xf32, #tpu.memory_space<hbm>>
    %dma_start3A_328 = arith.constant 0 : i32
    %dma_start3A_329 = arith.constant 0 : i32
    %dma_start3A_330 = tpu.memref_slice %arg13[%dma_start3A_315, %dma_start3A_328, %dma_start3A_329] : memref<4x32x128xf32, #tpu.memory_space<vmem>> -> memref<1x32x128xf32, #tpu.memory_space<vmem>>
    %dma_start3A_331 = tpu.memref_squeeze %dma_start3A_330 : memref<1x32x128xf32, #tpu.memory_space<vmem>> -> memref<32x128xf32, #tpu.memory_space<vmem>>
    tpu.enqueue_dma source(%dma_start3A_331 : memref<32x128xf32, #tpu.memory_space<vmem>>) target(%dma_start3A_327 : memref<32x128xf32, #tpu.memory_space<hbm>>) target_semaphore(%arg19 : memref<!tpu.dma_semaphore, #tpu.memory_space<semaphore_mem>>)
    %dma_wait3A_332 = arith.constant 3 : i32
    %dma_wait3A_333 = arith.constant 0 : i32
    %dma_wait3A_334 = arith.constant 0 : i32
    %dma_wait3A_335 = tpu.memref_slice %arg11[%dma_wait3A_332, %dma_wait3A_333, %dma_wait3A_334] : memref<4x32x128xf32, #tpu.memory_space<vmem>> -> memref<1x32x128xf32, #tpu.memory_space<vmem>>
    %dma_wait3A_336 = tpu.memref_squeeze %dma_wait3A_335 : memref<1x32x128xf32, #tpu.memory_space<vmem>> -> memref<32x128xf32, #tpu.memory_space<vmem>>
    %dma_wait3A_337 = arith.constant 0 : i32
    %dma_wait3A_338 = arith.constant 0 : i32
    %dma_wait3A_339 = tpu.memref_slice %arg5[%add3A_117, %dma_wait3A_337, %dma_wait3A_338] : memref<128x32x128xf32, #tpu.memory_space<hbm>> -> memref<1x32x128xf32, #tpu.memory_space<hbm>>
    %dma_wait3A_340 = tpu.memref_squeeze %dma_wait3A_339 : memref<1x32x128xf32, #tpu.memory_space<hbm>> -> memref<32x128xf32, #tpu.memory_space<hbm>>
    %dma_wait3A_341 = arith.constant 0 : i32
    %dma_wait3A_342 = arith.constant 0 : i32
    %dma_wait3A_343 = tpu.memref_slice %arg11[%dma_wait3A_332, %dma_wait3A_341, %dma_wait3A_342] : memref<4x32x128xf32, #tpu.memory_space<vmem>> -> memref<1x32x128xf32, #tpu.memory_space<vmem>>
    %dma_wait3A_344 = tpu.memref_squeeze %dma_wait3A_343 : memref<1x32x128xf32, #tpu.memory_space<vmem>> -> memref<32x128xf32, #tpu.memory_space<vmem>>
    %dma_wait3A_345 = arith.constant 0 : i32
    %dma_wait3A_346 = arith.constant 0 : i32
    %dma_wait3A_347 = tpu.memref_slice %arg5[%add3A_117, %dma_wait3A_345, %dma_wait3A_346] : memref<128x32x128xf32, #tpu.memory_space<hbm>> -> memref<1x32x128xf32, #tpu.memory_space<hbm>>
    %dma_wait3A_348 = tpu.memref_squeeze %dma_wait3A_347 : memref<1x32x128xf32, #tpu.memory_space<hbm>> -> memref<32x128xf32, #tpu.memory_space<hbm>>
    tpu.wait_dma2 semaphore(%arg18 : memref<!tpu.dma_semaphore, #tpu.memory_space<semaphore_mem>>) src(%dma_wait3A_348 : memref<32x128xf32, #tpu.memory_space<hbm>>) dst(%dma_wait3A_344 : memref<32x128xf32, #tpu.memory_space<vmem>>)
    %dma_wait3A_349 = arith.constant 3 : i32
    %dma_wait3A_350 = arith.constant 0 : i32
    %dma_wait3A_351 = arith.constant 0 : i32
    %dma_wait3A_352 = tpu.memref_slice %arg12[%dma_wait3A_349, %dma_wait3A_350, %dma_wait3A_351] : memref<4x32x128xf32, #tpu.memory_space<vmem>> -> memref<1x32x128xf32, #tpu.memory_space<vmem>>
    %dma_wait3A_353 = tpu.memref_squeeze %dma_wait3A_352 : memref<1x32x128xf32, #tpu.memory_space<vmem>> -> memref<32x128xf32, #tpu.memory_space<vmem>>
    %dma_wait3A_354 = arith.constant 0 : i32
    %dma_wait3A_355 = arith.constant 0 : i32
    %dma_wait3A_356 = tpu.memref_slice %arg6[%add3A_136, %dma_wait3A_354, %dma_wait3A_355] : memref<128x32x128xf32, #tpu.memory_space<hbm>> -> memref<1x32x128xf32, #tpu.memory_space<hbm>>
    %dma_wait3A_357 = tpu.memref_squeeze %dma_wait3A_356 : memref<1x32x128xf32, #tpu.memory_space<hbm>> -> memref<32x128xf32, #tpu.memory_space<hbm>>
    %dma_wait3A_358 = arith.constant 0 : i32
    %dma_wait3A_359 = arith.constant 0 : i32
    %dma_wait3A_360 = tpu.memref_slice %arg12[%dma_wait3A_349, %dma_wait3A_358, %dma_wait3A_359] : memref<4x32x128xf32, #tpu.memory_space<vmem>> -> memref<1x32x128xf32, #tpu.memory_space<vmem>>
    %dma_wait3A_361 = tpu.memref_squeeze %dma_wait3A_360 : memref<1x32x128xf32, #tpu.memory_space<vmem>> -> memref<32x128xf32, #tpu.memory_space<vmem>>
    %dma_wait3A_362 = arith.constant 0 : i32
    %dma_wait3A_363 = arith.constant 0 : i32
    %dma_wait3A_364 = tpu.memref_slice %arg6[%add3A_136, %dma_wait3A_362, %dma_wait3A_363] : memref<128x32x128xf32, #tpu.memory_space<hbm>> -> memref<1x32x128xf32, #tpu.memory_space<hbm>>
    %dma_wait3A_365 = tpu.memref_squeeze %dma_wait3A_364 : memref<1x32x128xf32, #tpu.memory_space<hbm>> -> memref<32x128xf32, #tpu.memory_space<hbm>>
    tpu.wait_dma2 semaphore(%arg18 : memref<!tpu.dma_semaphore, #tpu.memory_space<semaphore_mem>>) src(%dma_wait3A_365 : memref<32x128xf32, #tpu.memory_space<hbm>>) dst(%dma_wait3A_361 : memref<32x128xf32, #tpu.memory_space<vmem>>)
    %parallel_loop3A_366 = arith.constant 0 : i32
    %parallel_loop3A_367 = arith.constant 128 : i32
    %parallel_loop3A_368 = arith.constant 1 : i32
    scf.for %parallel_loop3A_456 = %parallel_loop3A_366 to %parallel_loop3A_367 step %parallel_loop3A_368  : i32 {
      %parallel_loop3A_457 = arith.constant 16 : i32
      %parallel_loop3A_458 = arith.muli %parallel_loop3A_456, %parallel_loop3A_457 : i32
      %parallel_loop3A_459 = arith.constant 7 : i32
      %parallel_loop3A_460 = arith.andi %parallel_loop3A_456, %parallel_loop3A_459 : i32
      %parallel_loop3A_461 = arith.constant 16 : i32
      %parallel_loop3A_462 = arith.muli %parallel_loop3A_460, %parallel_loop3A_461 : i32
      %parallel_loop3A_463 = arith.constant 3 : i32
      %parallel_loop3A_464 = arith.shrsi %parallel_loop3A_456, %parallel_loop3A_463 : i32
      %parallel_loop3A_465 = arith.constant 2 : i32
      %parallel_loop3A_466 = arith.muli %parallel_loop3A_464, %parallel_loop3A_465 : i32
      %parallel_loop3A_467 = arith.constant 3 : i32
      %parallel_loop3A_468 = arith.index_cast %parallel_loop3A_467 : i32 to index
      %parallel_loop3A_469 = arith.index_cast %parallel_loop3A_458 : i32 to index
      %parallel_loop3A_470 = tpu.vector_load %arg9[%parallel_loop3A_468, %parallel_loop3A_469] {strides = array<i32>} : memref<4x2048xf32, #tpu.memory_space<vmem>>, vector<1x16xf32>,
      %parallel_loop3A_471 = vector.shape_cast %parallel_loop3A_470 : vector<1x16xf32> to vector<16xf32>
      %parallel_loop3A_472 = arith.constant 3 : i32
      %parallel_loop3A_473 = arith.index_cast %parallel_loop3A_472 : i32 to index
      %parallel_loop3A_474 = arith.index_cast %parallel_loop3A_458 : i32 to index
      %parallel_loop3A_475 = tpu.vector_load %arg10[%parallel_loop3A_473, %parallel_loop3A_474] {strides = array<i32>} : memref<4x2048xf32, #tpu.memory_space<vmem>>, vector<1x16xf32>,
      %parallel_loop3A_476 = vector.shape_cast %parallel_loop3A_475 : vector<1x16xf32> to vector<16xf32>
      %parallel_loop3A_477 = arith.constant 0 : i32
      %parallel_loop3A_478 = arith.addi %parallel_loop3A_466, %parallel_loop3A_477 : i32
      %parallel_loop3A_479 = arith.constant 3 : i32
      %parallel_loop3A_480 = arith.index_cast %parallel_loop3A_479 : i32 to index
      %parallel_loop3A_481 = arith.index_cast %parallel_loop3A_478 : i32 to index
      %parallel_loop3A_482 = arith.index_cast %parallel_loop3A_462 : i32 to index
      %parallel_loop3A_483 = tpu.vector_load %arg11[%parallel_loop3A_480, %parallel_loop3A_481, %parallel_loop3A_482] {strides = array<i32>} : memref<4x32x128xf32, #tpu.memory_space<vmem>>, vector<1x1x16xf32>,
      %parallel_loop3A_484 = vector.shape_cast %parallel_loop3A_483 : vector<1x1x16xf32> to vector<16xf32>
      %parallel_loop3A_485 = arith.constant 0 : i32
      %parallel_loop3A_486 = arith.addi %parallel_loop3A_466, %parallel_loop3A_485 : i32
      %parallel_loop3A_487 = arith.constant 3 : i32
      %parallel_loop3A_488 = arith.index_cast %parallel_loop3A_487 : i32 to index
      %parallel_loop3A_489 = arith.index_cast %parallel_loop3A_486 : i32 to index
      %parallel_loop3A_490 = arith.index_cast %parallel_loop3A_462 : i32 to index
      %parallel_loop3A_491 = tpu.vector_load %arg12[%parallel_loop3A_488, %parallel_loop3A_489, %parallel_loop3A_490] {strides = array<i32>} : memref<4x32x128xf32, #tpu.memory_space<vmem>>, vector<1x1x16xf32>,
      %parallel_loop3A_492 = vector.shape_cast %parallel_loop3A_491 : vector<1x1x16xf32> to vector<16xf32>
      %parallel_loop3A_493 = arith.mulf %parallel_loop3A_476, %parallel_loop3A_484 : vector<16xf32>
      %parallel_loop3A_494 = arith.mulf %parallel_loop3A_471, %parallel_loop3A_492 : vector<16xf32>
      %parallel_loop3A_495 = arith.addf %parallel_loop3A_493, %parallel_loop3A_494 : vector<16xf32>
      %parallel_loop3A_496 = arith.constant 0 : i32
      %parallel_loop3A_497 = arith.addi %parallel_loop3A_466, %parallel_loop3A_496 : i32
      %parallel_loop3A_498 = arith.constant 3 : i32
      %parallel_loop3A_499 = arith.index_cast %parallel_loop3A_498 : i32 to index
      %parallel_loop3A_500 = arith.index_cast %parallel_loop3A_497 : i32 to index
      %parallel_loop3A_501 = arith.index_cast %parallel_loop3A_462 : i32 to index
      %parallel_loop3A_502 = tpu.vector_load %arg13[%parallel_loop3A_499, %parallel_loop3A_500, %parallel_loop3A_501] {strides = array<i32>} : memref<4x32x128xf32, #tpu.memory_space<vmem>>, vector<1x1x16xf32>,
      %parallel_loop3A_503 = vector.shape_cast %parallel_loop3A_502 : vector<1x1x16xf32> to vector<16xf32>
      %parallel_loop3A_504 = vector.shape_cast %parallel_loop3A_495 : vector<16xf32> to vector<1x1x16xf32>
      tpu.vector_store %arg13[%parallel_loop3A_499, %parallel_loop3A_500, %parallel_loop3A_501], %parallel_loop3A_504 {strides = array<i32>} : memref<4x32x128xf32, #tpu.memory_space<vmem>>, vector<1x1x16xf32>,
      %parallel_loop3A_505 = arith.constant 1 : i32
      %parallel_loop3A_506 = arith.addi %parallel_loop3A_466, %parallel_loop3A_505 : i32
      %parallel_loop3A_507 = arith.constant 3 : i32
      %parallel_loop3A_508 = arith.index_cast %parallel_loop3A_507 : i32 to index
      %parallel_loop3A_509 = arith.index_cast %parallel_loop3A_506 : i32 to index
      %parallel_loop3A_510 = arith.index_cast %parallel_loop3A_462 : i32 to index
      %parallel_loop3A_511 = tpu.vector_load %arg11[%parallel_loop3A_508, %parallel_loop3A_509, %parallel_loop3A_510] {strides = array<i32>} : memref<4x32x128xf32, #tpu.memory_space<vmem>>, vector<1x1x16xf32>,
      %parallel_loop3A_512 = vector.shape_cast %parallel_loop3A_511 : vector<1x1x16xf32> to vector<16xf32>
      %parallel_loop3A_513 = arith.constant 1 : i32
      %parallel_loop3A_514 = arith.addi %parallel_loop3A_466, %parallel_loop3A_513 : i32
      %parallel_loop3A_515 = arith.constant 3 : i32
      %parallel_loop3A_516 = arith.index_cast %parallel_loop3A_515 : i32 to index
      %parallel_loop3A_517 = arith.index_cast %parallel_loop3A_514 : i32 to index
      %parallel_loop3A_518 = arith.index_cast %parallel_loop3A_462 : i32 to index
      %parallel_loop3A_519 = tpu.vector_load %arg12[%parallel_loop3A_516, %parallel_loop3A_517, %parallel_loop3A_518] {strides = array<i32>} : memref<4x32x128xf32, #tpu.memory_space<vmem>>, vector<1x1x16xf32>,
      %parallel_loop3A_520 = vector.shape_cast %parallel_loop3A_519 : vector<1x1x16xf32> to vector<16xf32>
      %parallel_loop3A_521 = arith.mulf %parallel_loop3A_476, %parallel_loop3A_512 : vector<16xf32>
      %parallel_loop3A_522 = arith.mulf %parallel_loop3A_471, %parallel_loop3A_520 : vector<16xf32>
      %parallel_loop3A_523 = arith.addf %parallel_loop3A_521, %parallel_loop3A_522 : vector<16xf32>
      %parallel_loop3A_524 = arith.constant 1 : i32
      %parallel_loop3A_525 = arith.addi %parallel_loop3A_466, %parallel_loop3A_524 : i32
      %parallel_loop3A_526 = arith.constant 3 : i32
      %parallel_loop3A_527 = arith.index_cast %parallel_loop3A_526 : i32 to index
      %parallel_loop3A_528 = arith.index_cast %parallel_loop3A_525 : i32 to index
      %parallel_loop3A_529 = arith.index_cast %parallel_loop3A_462 : i32 to index
      %parallel_loop3A_530 = tpu.vector_load %arg13[%parallel_loop3A_527, %parallel_loop3A_528, %parallel_loop3A_529] {strides = array<i32>} : memref<4x32x128xf32, #tpu.memory_space<vmem>>, vector<1x1x16xf32>,
      %parallel_loop3A_531 = vector.shape_cast %parallel_loop3A_530 : vector<1x1x16xf32> to vector<16xf32>
      %parallel_loop3A_532 = vector.shape_cast %parallel_loop3A_523 : vector<16xf32> to vector<1x1x16xf32>
      tpu.vector_store %arg13[%parallel_loop3A_527, %parallel_loop3A_528, %parallel_loop3A_529], %parallel_loop3A_532 {strides = array<i32>} : memref<4x32x128xf32, #tpu.memory_space<vmem>>, vector<1x1x16xf32>,
    } {sc.loop_unroll_factor = 1 : i64, sc.parallel_access}
    %add3A_369 = arith.constant 3 : i32
    %add3A_370 = arith.addi %mul3A_2, %add3A_369 : i32
    %dma_start3A_371 = arith.constant 3 : i32
    %dma_start3A_372 = arith.constant 0 : i32
    %dma_start3A_373 = arith.constant 0 : i32
    %dma_start3A_374 = tpu.memref_slice %arg13[%dma_start3A_371, %dma_start3A_372, %dma_start3A_373] : memref<4x32x128xf32, #tpu.memory_space<vmem>> -> memref<1x32x128xf32, #tpu.memory_space<vmem>>
    %dma_start3A_375 = tpu.memref_squeeze %dma_start3A_374 : memref<1x32x128xf32, #tpu.memory_space<vmem>> -> memref<32x128xf32, #tpu.memory_space<vmem>>
    %dma_start3A_376 = arith.constant 0 : i32
    %dma_start3A_377 = arith.constant 0 : i32
    %dma_start3A_378 = tpu.memref_slice %arg7[%add3A_370, %dma_start3A_376, %dma_start3A_377] : memref<128x32x128xf32, #tpu.memory_space<hbm>> -> memref<1x32x128xf32, #tpu.memory_space<hbm>>
    %dma_start3A_379 = tpu.memref_squeeze %dma_start3A_378 : memref<1x32x128xf32, #tpu.memory_space<hbm>> -> memref<32x128xf32, #tpu.memory_space<hbm>>
    %dma_start3A_380 = arith.constant 0 : i32
    %dma_start3A_381 = arith.constant 0 : i32
    %dma_start3A_382 = tpu.memref_slice %arg7[%add3A_370, %dma_start3A_380, %dma_start3A_381] : memref<128x32x128xf32, #tpu.memory_space<hbm>> -> memref<1x32x128xf32, #tpu.memory_space<hbm>>
    %dma_start3A_383 = tpu.memref_squeeze %dma_start3A_382 : memref<1x32x128xf32, #tpu.memory_space<hbm>> -> memref<32x128xf32, #tpu.memory_space<hbm>>
    %dma_start3A_384 = arith.constant 0 : i32
    %dma_start3A_385 = arith.constant 0 : i32
    %dma_start3A_386 = tpu.memref_slice %arg13[%dma_start3A_371, %dma_start3A_384, %dma_start3A_385] : memref<4x32x128xf32, #tpu.memory_space<vmem>> -> memref<1x32x128xf32, #tpu.memory_space<vmem>>
    %dma_start3A_387 = tpu.memref_squeeze %dma_start3A_386 : memref<1x32x128xf32, #tpu.memory_space<vmem>> -> memref<32x128xf32, #tpu.memory_space<vmem>>
    tpu.enqueue_dma source(%dma_start3A_387 : memref<32x128xf32, #tpu.memory_space<vmem>>) target(%dma_start3A_383 : memref<32x128xf32, #tpu.memory_space<hbm>>) target_semaphore(%arg19 : memref<!tpu.dma_semaphore, #tpu.memory_space<semaphore_mem>>)
    %dma_wait3A_388 = arith.constant 0 : i32
    %dma_wait3A_389 = arith.constant 0 : i32
    %dma_wait3A_390 = arith.constant 0 : i32
    %dma_wait3A_391 = tpu.memref_slice %arg13[%dma_wait3A_388, %dma_wait3A_389, %dma_wait3A_390] : memref<4x32x128xf32, #tpu.memory_space<vmem>> -> memref<1x32x128xf32, #tpu.memory_space<vmem>>
    %dma_wait3A_392 = tpu.memref_squeeze %dma_wait3A_391 : memref<1x32x128xf32, #tpu.memory_space<vmem>> -> memref<32x128xf32, #tpu.memory_space<vmem>>
    %dma_wait3A_393 = arith.constant 0 : i32
    %dma_wait3A_394 = arith.constant 0 : i32
    %dma_wait3A_395 = tpu.memref_slice %arg7[%add3A_202, %dma_wait3A_393, %dma_wait3A_394] : memref<128x32x128xf32, #tpu.memory_space<hbm>> -> memref<1x32x128xf32, #tpu.memory_space<hbm>>
    %dma_wait3A_396 = tpu.memref_squeeze %dma_wait3A_395 : memref<1x32x128xf32, #tpu.memory_space<hbm>> -> memref<32x128xf32, #tpu.memory_space<hbm>>
    %dma_wait3A_397 = arith.constant 0 : i32
    %dma_wait3A_398 = arith.constant 0 : i32
    %dma_wait3A_399 = tpu.memref_slice %arg7[%add3A_202, %dma_wait3A_397, %dma_wait3A_398] : memref<128x32x128xf32, #tpu.memory_space<hbm>> -> memref<1x32x128xf32, #tpu.memory_space<hbm>>
    %dma_wait3A_400 = tpu.memref_squeeze %dma_wait3A_399 : memref<1x32x128xf32, #tpu.memory_space<hbm>> -> memref<32x128xf32, #tpu.memory_space<hbm>>
    %dma_wait3A_401 = arith.constant 0 : i32
    %dma_wait3A_402 = arith.constant 0 : i32
    %dma_wait3A_403 = tpu.memref_slice %arg13[%dma_wait3A_388, %dma_wait3A_401, %dma_wait3A_402] : memref<4x32x128xf32, #tpu.memory_space<vmem>> -> memref<1x32x128xf32, #tpu.memory_space<vmem>>
    %dma_wait3A_404 = tpu.memref_squeeze %dma_wait3A_403 : memref<1x32x128xf32, #tpu.memory_space<vmem>> -> memref<32x128xf32, #tpu.memory_space<vmem>>
    tpu.wait_dma2 semaphore(%arg19 : memref<!tpu.dma_semaphore, #tpu.memory_space<semaphore_mem>>) src(%dma_wait3A_404 : memref<32x128xf32, #tpu.memory_space<vmem>>) dst(%dma_wait3A_400 : memref<32x128xf32, #tpu.memory_space<hbm>>)
    %dma_wait3A_405 = arith.constant 1 : i32
    %dma_wait3A_406 = arith.constant 0 : i32
    %dma_wait3A_407 = arith.constant 0 : i32
    %dma_wait3A_408 = tpu.memref_slice %arg13[%dma_wait3A_405, %dma_wait3A_406, %dma_wait3A_407] : memref<4x32x128xf32, #tpu.memory_space<vmem>> -> memref<1x32x128xf32, #tpu.memory_space<vmem>>
    %dma_wait3A_409 = tpu.memref_squeeze %dma_wait3A_408 : memref<1x32x128xf32, #tpu.memory_space<vmem>> -> memref<32x128xf32, #tpu.memory_space<vmem>>
    %dma_wait3A_410 = arith.constant 0 : i32
    %dma_wait3A_411 = arith.constant 0 : i32
    %dma_wait3A_412 = tpu.memref_slice %arg7[%add3A_258, %dma_wait3A_410, %dma_wait3A_411] : memref<128x32x128xf32, #tpu.memory_space<hbm>> -> memref<1x32x128xf32, #tpu.memory_space<hbm>>
    %dma_wait3A_413 = tpu.memref_squeeze %dma_wait3A_412 : memref<1x32x128xf32, #tpu.memory_space<hbm>> -> memref<32x128xf32, #tpu.memory_space<hbm>>
    %dma_wait3A_414 = arith.constant 0 : i32
    %dma_wait3A_415 = arith.constant 0 : i32
    %dma_wait3A_416 = tpu.memref_slice %arg7[%add3A_258, %dma_wait3A_414, %dma_wait3A_415] : memref<128x32x128xf32, #tpu.memory_space<hbm>> -> memref<1x32x128xf32, #tpu.memory_space<hbm>>
    %dma_wait3A_417 = tpu.memref_squeeze %dma_wait3A_416 : memref<1x32x128xf32, #tpu.memory_space<hbm>> -> memref<32x128xf32, #tpu.memory_space<hbm>>
    %dma_wait3A_418 = arith.constant 0 : i32
    %dma_wait3A_419 = arith.constant 0 : i32
    %dma_wait3A_420 = tpu.memref_slice %arg13[%dma_wait3A_405, %dma_wait3A_418, %dma_wait3A_419] : memref<4x32x128xf32, #tpu.memory_space<vmem>> -> memref<1x32x128xf32, #tpu.memory_space<vmem>>
    %dma_wait3A_421 = tpu.memref_squeeze %dma_wait3A_420 : memref<1x32x128xf32, #tpu.memory_space<vmem>> -> memref<32x128xf32, #tpu.memory_space<vmem>>
    tpu.wait_dma2 semaphore(%arg19 : memref<!tpu.dma_semaphore, #tpu.memory_space<semaphore_mem>>) src(%dma_wait3A_421 : memref<32x128xf32, #tpu.memory_space<vmem>>) dst(%dma_wait3A_417 : memref<32x128xf32, #tpu.memory_space<hbm>>)
    %dma_wait3A_422 = arith.constant 2 : i32
    %dma_wait3A_423 = arith.constant 0 : i32
    %dma_wait3A_424 = arith.constant 0 : i32
    %dma_wait3A_425 = tpu.memref_slice %arg13[%dma_wait3A_422, %dma_wait3A_423, %dma_wait3A_424] : memref<4x32x128xf32, #tpu.memory_space<vmem>> -> memref<1x32x128xf32, #tpu.memory_space<vmem>>
    %dma_wait3A_426 = tpu.memref_squeeze %dma_wait3A_425 : memref<1x32x128xf32, #tpu.memory_space<vmem>> -> memref<32x128xf32, #tpu.memory_space<vmem>>
    %dma_wait3A_427 = arith.constant 0 : i32
    %dma_wait3A_428 = arith.constant 0 : i32
    %dma_wait3A_429 = tpu.memref_slice %arg7[%add3A_314, %dma_wait3A_427, %dma_wait3A_428] : memref<128x32x128xf32, #tpu.memory_space<hbm>> -> memref<1x32x128xf32, #tpu.memory_space<hbm>>
    %dma_wait3A_430 = tpu.memref_squeeze %dma_wait3A_429 : memref<1x32x128xf32, #tpu.memory_space<hbm>> -> memref<32x128xf32, #tpu.memory_space<hbm>>
    %dma_wait3A_431 = arith.constant 0 : i32
    %dma_wait3A_432 = arith.constant 0 : i32
    %dma_wait3A_433 = tpu.memref_slice %arg7[%add3A_314, %dma_wait3A_431, %dma_wait3A_432] : memref<128x32x128xf32, #tpu.memory_space<hbm>> -> memref<1x32x128xf32, #tpu.memory_space<hbm>>
    %dma_wait3A_434 = tpu.memref_squeeze %dma_wait3A_433 : memref<1x32x128xf32, #tpu.memory_space<hbm>> -> memref<32x128xf32, #tpu.memory_space<hbm>>
    %dma_wait3A_435 = arith.constant 0 : i32
    %dma_wait3A_436 = arith.constant 0 : i32
    %dma_wait3A_437 = tpu.memref_slice %arg13[%dma_wait3A_422, %dma_wait3A_435, %dma_wait3A_436] : memref<4x32x128xf32, #tpu.memory_space<vmem>> -> memref<1x32x128xf32, #tpu.memory_space<vmem>>
    %dma_wait3A_438 = tpu.memref_squeeze %dma_wait3A_437 : memref<1x32x128xf32, #tpu.memory_space<vmem>> -> memref<32x128xf32, #tpu.memory_space<vmem>>
    tpu.wait_dma2 semaphore(%arg19 : memref<!tpu.dma_semaphore, #tpu.memory_space<semaphore_mem>>) src(%dma_wait3A_438 : memref<32x128xf32, #tpu.memory_space<vmem>>) dst(%dma_wait3A_434 : memref<32x128xf32, #tpu.memory_space<hbm>>)
    %dma_wait3A_439 = arith.constant 3 : i32
    %dma_wait3A_440 = arith.constant 0 : i32
    %dma_wait3A_441 = arith.constant 0 : i32
    %dma_wait3A_442 = tpu.memref_slice %arg13[%dma_wait3A_439, %dma_wait3A_440, %dma_wait3A_441] : memref<4x32x128xf32, #tpu.memory_space<vmem>> -> memref<1x32x128xf32, #tpu.memory_space<vmem>>
    %dma_wait3A_443 = tpu.memref_squeeze %dma_wait3A_442 : memref<1x32x128xf32, #tpu.memory_space<vmem>> -> memref<32x128xf32, #tpu.memory_space<vmem>>
    %dma_wait3A_444 = arith.constant 0 : i32
    %dma_wait3A_445 = arith.constant 0 : i32
    %dma_wait3A_446 = tpu.memref_slice %arg7[%add3A_370, %dma_wait3A_444, %dma_wait3A_445] : memref<128x32x128xf32, #tpu.memory_space<hbm>> -> memref<1x32x128xf32, #tpu.memory_space<hbm>>
    %dma_wait3A_447 = tpu.memref_squeeze %dma_wait3A_446 : memref<1x32x128xf32, #tpu.memory_space<hbm>> -> memref<32x128xf32, #tpu.memory_space<hbm>>
    %dma_wait3A_448 = arith.constant 0 : i32
    %dma_wait3A_449 = arith.constant 0 : i32
    %dma_wait3A_450 = tpu.memref_slice %arg7[%add3A_370, %dma_wait3A_448, %dma_wait3A_449] : memref<128x32x128xf32, #tpu.memory_space<hbm>> -> memref<1x32x128xf32, #tpu.memory_space<hbm>>
    %dma_wait3A_451 = tpu.memref_squeeze %dma_wait3A_450 : memref<1x32x128xf32, #tpu.memory_space<hbm>> -> memref<32x128xf32, #tpu.memory_space<hbm>>
    %dma_wait3A_452 = arith.constant 0 : i32
    %dma_wait3A_453 = arith.constant 0 : i32
    %dma_wait3A_454 = tpu.memref_slice %arg13[%dma_wait3A_439, %dma_wait3A_452, %dma_wait3A_453] : memref<4x32x128xf32, #tpu.memory_space<vmem>> -> memref<1x32x128xf32, #tpu.memory_space<vmem>>
    %dma_wait3A_455 = tpu.memref_squeeze %dma_wait3A_454 : memref<1x32x128xf32, #tpu.memory_space<vmem>> -> memref<32x128xf32, #tpu.memory_space<vmem>>
    tpu.wait_dma2 semaphore(%arg19 : memref<!tpu.dma_semaphore, #tpu.memory_space<semaphore_mem>>) src(%dma_wait3A_455 : memref<32x128xf32, #tpu.memory_space<vmem>>) dst(%dma_wait3A_451 : memref<32x128xf32, #tpu.memory_space<hbm>>)
    return
  }
}

</mosaic_0001>

<sc_bundles>
// kernel: kernel.3.cloned.1.call-start
scs
__scs_entry_jumppad:
0x0: {  	(pc) =	sbr.rel $0x88, $3  }
0x1: {  	(tag) =	ssettag $0x0;
	lr =	simm.s32 $0x1  }
0x2: {  	[smem:$0x3F9C] =	sst lr;
	_ =	strace $0xD0000000  }
0x3: {  	_ = 	snop  }
0x4: {  	_ = 	snop  }
0x5: {  	_ = 	snop  }
0x6: {  	_ = 	snop  }
0x7: {  	_ = 	snop  }
__scs_overlays_trampoline_lowered:
0x8: {  	[smem:$0x3FAB] =	sst s0  }
0x9: {  	[smem:$0x3FAC] =	sst s1  }
0xa: {  	[smem:$0x3FAD] =	sst s2  }
0xb: {  	[smem:$0x3FAE] =	sst s3  }
0xc: {  	[smem:$0x3FAF] =	sst s4  }
0xd: {  	[smem:$0x3FB0] =	sst s5  }
0xe: {  	[smem:$0x3FB1] =	sst s6  }
0xf: {  	[smem:$0x3FB2] =	sst s7  }
0x10: {  	[smem:$0x3FB3] =	sst s8  }
0x11: {  	[smem:$0x3FB4] =	sst s9;
	s0 =	simm.s32 @!p0 $0x0  }
0x12: {  	s1 =	sld [smem:$0x3F9A];
	s0 =	simm.s32 @p0 $0x1  }
0x13: {  	[smem:$0x3FB5] =	sst s0;
	s0 =	simm.s32 @!p1 $0x0  }
0x14: {  	s2 =	sld [smem:$0x3F99];
	s0 =	simm.s32 @p1 $0x1  }
0x15: {  	[smem:$0x3FB6] =	sst s0;
	s0 =	simm.s32 @!p2 $0x0  }
0x16: {  	s3 =	sld [smem:$0x3FDB];
	s0 =	simm.s32 @p2 $0x1  }
0x17: {  	s4 =	simm.s32 $0x1BF5;
	[smem:$0x3FB8] =	sst s0  }
0x18: {  	s0 =	sld [smem:$0x3F9B];
	_ =	swait.ge [sflag:s4], $0x0  }
0x19: {  	s7 =	sld [smem:$0x3F9C]  }
0x1a: {  	s8 =	sadd.s32 $0xFFFFE003, lr  }
0x1b: {  	s9 =	sadd.s32 $0xFFFFFEF7, lr;
	s5 =	simm.s32 $0xFFFFFFFF;
	p2 =	slt.u32 s8, $0xFFFFF086  }
0x1c: {  	p1 =	slt.u32 s9, $0xF7A;
	s5 =	simm.s32 @!p2 $0x0  }
0x1d: {  	s5 =	simm.s32 @p1 $0x1;
	p0 =	seq.s32 s7, s2  }
0x1e: {  	s7 =	smul.u32 @!p0 $0xF7A, s2;
	p2 =	seq.s32 @!p0 s5, $0x0  }
0x1f: {  	s9 =	smul.u32 $0xF7A, s1;
	s8 =	simm.s32 @!p0 $0x1BF5;
	p2 =	por !p2, p0  }
0x20: {  	[sflag:s8] =	ssyncset.s32 @!p0 $0xFFFFF086;
	s6 =	sadd.s32 @!p0 s3, s7;
	s7 =	simm.s32 @!p0 $0x108  }
0x21: {  	s3 =	sadd.s32 s3, s9;
	s6 =	sadd.s32 @!p0 $0x88, s6;
	s7 =	simm.s32 @p2 $0x1082  }
0x22: {  	[simem:s7], [sflag:s8] =	dma.local @!p0 [hbm:s6], $0xF7A  }
0x23: {  	s9 =	sor.u32 $0xD0000000, s2;
	s6 =	simm.s32 $0x108;
	_ =	swait.ge @!p0 [sflag:s8], $0x0  }
0x24: {  	s3 =	sadd.s32 $0x88, s3;
	s6 =	simm.s32 @!p1 $0x1082;
	[sflag:s4] =	ssyncset.s32 $0xFFFFF086  }
0x25: {  	[simem:s6], [sflag:s4] =	dma.local [hbm:s3], $0xF7A  }
0x26: {  	[smem:$0x3F9C] =	sst s1;
	(tag) =	ssettag s2;
	_ =	strace s9  }
0x27: {  	s1 =	sld [smem:$0x3FAC]  }
0x28: {  	s2 =	sld [smem:$0x3FAD]  }
0x29: {  	s4 =	sld [smem:$0x3FAF]  }
0x2a: {  	p0 =	seq.s32 s5, $0x0;
	s5 =	sld [smem:$0x3FB0]  }
0x2b: {  	s6 =	sld [smem:$0x3FB1]  }
0x2c: {  	s7 =	sld [smem:$0x3FB2]  }
0x2d: {  	s3 =	simm.s32 $0x108;
	s8 =	sld [smem:$0x3FB3]  }
0x2e: {  	s3 =	simm.s32 @!p0 $0x1082;
	s9 =	sld [smem:$0x3FB4]  }
0x2f: {  	lr =	sadd.s32 s0, s3;
	s0 =	sld [smem:$0x3FAB]  }
0x30: {  	s3 =	sld [smem:$0x3FAE]  }
0x31: {  	[smem:$0x3FB7] =	sst s10  }
0x32: {  	s10 =	sld [smem:$0x3FB5];
	_ =	sdelay $0x3  }
0x33: {  	p0 =	seq.s32 s10, $0x1;
	s10 =	sld [smem:$0x3FB7];
	_ =	sdelay $0x3  }
0x34: {  	[smem:$0x3FB7] =	sst s10  }
0x35: {  	s10 =	sld [smem:$0x3FB6];
	_ =	sdelay $0x3  }
0x36: {  	p1 =	seq.s32 s10, $0x1;
	s10 =	sld [smem:$0x3FB7];
	_ =	sdelay $0x3  }
0x37: {  	[smem:$0x3FB7] =	sst s10  }
0x38: {  	s10 =	sld [smem:$0x3FB8]  }
0x39: {  	_ = 	snop;
	(pc) =	sbr.ind lr, $3  }
0x3a: {  	_ = 	snop  }
0x3b: {  	_ = 	snop  }
0x3c: {  	p2 =	seq.s32 s10, $0x1;
	s10 =	sld [smem:$0x3FB7]  }
0x3d: {  	_ =	shalt  }
0x3e: {  	_ =	shalt  }
0x3f: {  	_ =	shalt  }
0x40: {  	_ =	shalt  }
0x41: {  	_ =	shalt  }
0x42: {  	_ =	shalt  }
0x43: {  	_ =	shalt  }
0x44: {  	_ =	shalt  }
0x45: {  	_ =	shalt  }
0x46: {  	_ =	shalt  }
0x47: {  	_ =	shalt  }
0x48: {  	_ =	shalt  }
0x49: {  	_ =	shalt  }
0x4a: {  	_ =	shalt  }
0x4b: {  	_ =	shalt  }
0x4c: {  	_ =	shalt  }
0x4d: {  	_ =	shalt  }
0x4e: {  	_ =	shalt  }
0x4f: {  	_ =	shalt  }
0x50: {  	_ =	shalt  }
0x51: {  	_ =	shalt  }
0x52: {  	_ =	shalt  }
0x53: {  	_ =	shalt  }
0x54: {  	_ =	shalt  }
0x55: {  	_ =	shalt  }
0x56: {  	_ =	shalt  }
0x57: {  	_ =	shalt  }
0x58: {  	_ =	shalt  }
0x59: {  	_ =	shalt  }
0x5a: {  	_ =	shalt  }
0x5b: {  	_ =	shalt  }
0x5c: {  	_ =	shalt  }
0x5d: {  	_ =	shalt  }
0x5e: {  	_ =	shalt  }
0x5f: {  	_ =	shalt  }
0x60: {  	_ =	shalt  }
0x61: {  	_ =	shalt  }
0x62: {  	_ =	shalt  }
0x63: {  	_ =	shalt  }
0x64: {  	_ =	shalt  }
0x65: {  	_ =	shalt  }
0x66: {  	_ =	shalt  }
0x67: {  	_ =	shalt  }
0x68: {  	_ =	shalt  }
0x69: {  	_ =	shalt  }
0x6a: {  	_ =	shalt  }
0x6b: {  	_ =	shalt  }
0x6c: {  	_ =	shalt  }
0x6d: {  	_ =	shalt  }
0x6e: {  	_ =	shalt  }
0x6f: {  	_ =	shalt  }
0x70: {  	_ =	shalt  }
0x71: {  	_ =	shalt  }
0x72: {  	_ =	shalt  }
0x73: {  	_ =	shalt  }
0x74: {  	_ =	shalt  }
0x75: {  	_ =	shalt  }
0x76: {  	_ =	shalt  }
0x77: {  	_ =	shalt  }
0x78: {  	_ =	shalt  }
0x79: {  	_ =	shalt  }
0x7a: {  	_ =	shalt  }
0x7b: {  	_ =	shalt  }
0x7c: {  	_ =	shalt  }
0x7d: {  	_ =	shalt  }
0x7e: {  	_ =	shalt  }
0x7f: {  	_ =	shalt  }
0x80: {  	_ =	shalt  }
0x81: {  	_ =	shalt  }
0x82: {  	_ =	shalt  }
0x83: {  	_ =	shalt  }
0x84: {  	_ =	shalt  }
0x85: {  	_ =	shalt  }
0x86: {  	_ =	shalt  }
0x87: {  	_ =	shalt  }
.Lfunc_end0:
.L_simem_size_0:
called_computation_lowered:
.L_overlay_start_0:
0x88: {  	s2 =	sld [smem:$0x3FD9]  }
0x89: {  	s3 =	sld [smem:$0x3FFE];
	_ =	sdelay $0x1  }
0x8a: {  	s1 =	srdreg.scid  }
0x8b: {  	s0 =	sand.u32 $0x1, s1  }
0x8c: {  	s17 =	sshll.u32 s0, $0xA;
	s2 =	sadd.s32 s3, s2  }
0x8d: {  	s2 =	sadd.s32 s2, s17  }
0x8e: {  	[smem:$0x3FC3] =	sst s2  }
0x8f: {  	_ = 	snop  }
0x90: {  	s2 =	sld [smem:$0x3FC9]  }
0x91: {  	s18 =	sld [smem:$0x3FC7]  }
0x92: {  	s4 =	sld [smem:$0x3FC6]  }
0x93: {  	s5 =	sld [smem:$0x3FC5]  }
0x94: {  	s6 =	sld [smem:$0x3FD0];
	(tm) =	ssettm $0x1  }
0x95: {  	s7 =	sld [smem:$0x3FFB];
	_ =	sdelay $0x3  }
0x96: {  	_ =	strace s7  }
0x97: {  	s7 =	sld [smem:$0x3FFC];
	_ =	sdelay $0x3  }
0x98: {  	_ =	strace s7  }
0x99: {  	s7 =	sld [smem:$0x3FFD];
	_ =	sdelay $0x3  }
0x9a: {  	_ =	strace s7  }
0x9b: {  	_ =	strace $0x8FFFFFFF  }
0x9c: {  	s19 =	sld [smem:$0x3FDB];
	_ =	sdelay $0x1  }
0x9d: {  	s8 =	simm.s32 $_scs_section_size  }
0x9e: {  	s9 =	simm.s32 $_size__tile_overlayer_lowered;
	s10 =	simm.s32 $_tile_overlayer_lowered  }
0x9f: {  	s22 =	simm.s32 $0x1BFF;
	s21 =	sshll.u32 s10, $0x1;
	s7 =	sadd.s32 s8, s19  }
0xa0: {  	s11 =	simm.s32 $0x0;
	s20 =	sshll.u32 s9, $0x1;
	s9 =	sadd.s32 s21, s7  }
0xa1: {  	[timem:s11], [sflag:s22] =	dma.local [hbm:s9], s20  }
0xa2: {  	_ =	swait.ge [sflag:s22], s20  }
0xa3: {  	s8 =	ssub.s32 $0x0, s20;
	[sflag:s22] =	ssyncset.done $0x0  }
0xa4: {  	[sflag:s22] =	ssyncadd.s32 s8;
	_ =	sdelay $0x1  }
0xa5: {  	s23 =	simm.s32 $0x1B8B  }
0xa6: {  	_ =	swait.ge [sflag:s23], $0x1  }
0xa7: {  	[sflag:s23] =	ssyncset.done $0x0  }
0xa8: {  	s25 =	simm.s32 $0x1B8E;
	s24 =	sld [smem:$0x3FFE];
	[sflag:s23] =	ssyncadd.s32 $0xFFFFFFFF  }
0xa9: {  	s26 =	simm.s32 $execute0_lowered;
	[smem:$0x3FD2] =	sst s25  }
0xaa: {  	s9 =	sshll.u32 s26, $0x1;
	_ =	strace $0x80000046;
	[dreg:$0x1] =	wrdreg $0xFFFFFFFF  }
0xab: {  	s28 =	simm.s32 $_size_execute0_lowered;
	s7 =	sadd.s32 s7, s9;
	[dreg:$0x0] =	wrdreg $0x0  }
0xac: {  	s9 =	sshll.u32 s28, $0x1;
	[dreg:$0x2] =	wrdreg s7  }
0xad: {  	[dreg:$0x3] =	wrdreg s9  }
0xae: {  	[dreg:$0x4] =	wrdreg $0xC0  }
0xaf: {  	_ =	task [dreg:s11], $0x5FFFF  }
0xb0: {  	[dreg:$0x1] =	wrdreg $0xFFFFFFFF  }
0xb1: {  	[dreg:$0x0] =	wrdreg $0x60  }
0xb2: {  	[dreg:$0x2] =	wrdreg s24  }
0xb3: {  	[dreg:$0x3] =	wrdreg s4  }
0xb4: {  	[dreg:$0x4] =	wrdreg s5  }
0xb5: {  	[dreg:$0x5] =	wrdreg s2  }
0xb6: {  	[dreg:$0x6] =	wrdreg s18  }
0xb7: {  	[dreg:$0x7] =	wrdreg s6  }
0xb8: {  	[dreg:$0x8] =	wrdreg $0x9  }
0xb9: {  	_ =	task.clear_ibuf [dreg:s11], $0x9FFFF;
	_ =	strace $0x90000046  }
0xba: {  	s29 =	simm.s32 $0x9;
	_ =	strace $0x80000048  }
0xbb: {  	_ =	swait.ge [sflag:s29], $0x1  }
0xbc: {  	[sflag:s29] =	ssyncadd.s32 $0xFFFFFFFF  }
0xbd: {  	_ =	strace $0x90000048  }
0xbe: {  	_ =	sfence  }
0xbf: {  	s30 =	sld [smem:$0x0];
	_ =	sdelay $0x2  }
0xc0: {  	s31 =	sshll.u32 s1, $0xD;
	s1 =	sshrl.u32 s1, $0x2  }
0xc1: {  	s3 =	sand.u32 $0x4000, s31;
	s1 =	sadd.s32 s1, s30  }
0xc2: {  	s0 =	sor.u32 s3, s0;
	s1 =	sshll.u32 s1, $0x11  }
0xc3: {  	s0 =	sor.u32 s1, s0  }
0xc4: {  	s0 =	sadd.s32 $0x8F2B, s0  }
0xc5: {  	[sflag:s0] =	ssyncadd.remote.s32 $0x1  }
0xc6: {  	_ =	sfence.sel $0xFFFF  }
0xc7: {  	[dreg:$0x0] =	wrdreg $0xFFFFFFFF;
	(pc) =	sbr.abs _section_cstart, $3  }
0xc8: {  	[dreg:$0x1] =	wrdreg $0xFFFFFFFF  }
0xc9: {  	_ =	task.clear_ibuf [dreg:s11], $0x2FFFF;
	_ =	strace $0x9FFFFFFF  }
0xca: {  	(tm) =	ssettm $0x7FFFFFFF  }
0xcb: {  	_ =	shalt  }
tec
execute0_lowered:
.L_overlay_start_1:
0x0: {  	(tag) =	ssettag $0x1  }
0x1: {  	s0 =	rddreg [dreg:$0x0]  }
0x2: {  	s9 =	rddreg [dreg:$0x1]  }
0x3: {  	s10 =	rddreg [dreg:$0x2]  }
0x4: {  	s1 =	rddreg [dreg:$0x3]  }
0x5: {  	s2 =	rddreg [dreg:$0x4]  }
0x6: {  	s3 =	rddreg [dreg:$0x5]  }
0x7: {  	s5 =	srdreg.scid;
	s6 =	stileid.u32;
	s4 =	simm.s32 $0x0  }
0x8: {  	s29 =	simm.s32 $0x4;
	s31 =	simm.s32 $0x5;
	s28 =	simm.s32 $0x0  }
0x9: {  	s5 =	sand.u32 $0x1, s5;
	s6 =	sshll.u32 s6, $0x1;
	[smem:$0x7FF] =	sst s4  }
0xa: {  	s14 =	sadd.s32 $0x200, s9;
	s15 =	sadd.s32 $0x400, s9;
	s16 =	sadd.s32 $0x600, s9  }
0xb: {  	s17 =	sadd.s32 $0x200, s10;
	s18 =	sadd.s32 $0x400, s10;
	s6 =	sor.u32 s5, s6  }
0xc: {  	s5 =	ssub.s32 $0x2, s5;
	_ =	strace $0x80000047;
	s7 =	sshll.u32 s6, $0x4  }
0xd: {  	s8 =	sshrl.u32 s5, $0x1;
	s6 =	sshll.u32 s6, $0xB;
	s0 =	sadd.s32 s7, s0  }
0xe: {  	s5 =	ssub.s32 s5, s8;
	s19 =	sadd.s32 s1, s6;
	s20 =	sadd.s32 s2, s6  }
0xf: {  	s21 =	sor.u32 $0x200, s6;
	s22 =	sor.u32 $0x400, s6;
	[dreg:$0x7] =	wrdreg s19  }
0x10: {  	s23 =	sor.u32 $0x600, s6;
	[dreg:$0x8] =	wrdreg s20;
	s24 =	sadd.s32 s1, s21  }
0x11: {  	s25 =	sadd.s32 s2, s21;
	s26 =	sadd.s32 s1, s22;
	s30 =	sadd.s32 s2, s22  }
0x12: {  	s11 =	sadd.s32 s1, s23;
	s12 =	sadd.s32 s2, s23;
	s13 =	sadd.s32 $0x400, s0  }
0x13: {  	s19 =	sadd.s32 $0x600, s10;
	s20 =	sadd.s32 s3, s6;
	[dreg:$0x9] =	wrdreg s24  }
0x14: {  	s21 =	sadd.s32 s3, s21;
	s22 =	sadd.s32 s3, s22;
	[dreg:$0xa] =	wrdreg s25  }
0x15: {  	v0 =	vlaneseq.u32;
	s23 =	sadd.s32 s3, s23;
	s1 =	simm.s32 $0x7;
	[dreg:$0xb] =	wrdreg s26  }
0x16: {  	v1 =	vshrl.u32 v0, $0x2;
	s3 =	simm.s32 $0x1;
	s2 =	simm.s32 $0x6;
	[dreg:$0xc] =	wrdreg s30  }
0x17: {  	vm0 =	vmmov $0xffff;
	v0 =	vand.u32 $0x3, v0;
	v1 =	vmul.u32 $0x8, v1;
	s24 =	smax.u32 s5, $0x1;
	s25 =	simm.s32 $0x2;
	s26 =	simm.s32 $0x3  }
.LBB2_1:
0x18: {  	s0 =	rddreg [dreg:$0x7];
	s5 =	simm.s32 $0x4080  }
0x19: {  	[tilespmem:s5], [sflag:$0x2] =	stream.linear.gather [hbm4b:s0+s4], $0x1000, $0x38;
	[tilespmem:$0x10080] =	vst v63  }
0x1a: {  	s6 =	simm.s32 $0x8080;
	s5 =	rddreg [dreg:$0x8]  }
0x1b: {  	[tilespmem:s6], [sflag:$0x2] =	stream.linear.gather [hbm4b:s5+s4], $0x1000, $0x38;
	[tilespmem:$0x10080] =	vst v63  }
0x1c: {  	s7 =	rddreg [dreg:$0x9];
	s8 =	simm.s32 $0x5080  }
0x1d: {  	[tilespmem:s8], [sflag:$0x3] =	stream.linear.gather [hbm4b:s7+s4], $0x1000, $0x38;
	[tilespmem:$0x10080] =	vst v63  }
0x1e: {  	s9 =	rddreg [dreg:$0xa];
	s10 =	simm.s32 $0x9080  }
0x1f: {  	[tilespmem:s10], [sflag:$0x3] =	stream.linear.gather [hbm4b:s9+s4], $0x1000, $0x38;
	[tilespmem:$0x10080] =	vst v63  }
0x20: {  	s6 =	rddreg [dreg:$0xb];
	s7 =	simm.s32 $0x6080  }
0x21: {  	[tilespmem:s7], [sflag:$0x4] =	stream.linear.gather [hbm4b:s6+s4], $0x1000, $0x38;
	[tilespmem:$0x10080] =	vst v63  }
0x22: {  	s8 =	rddreg [dreg:$0xc];
	s9 =	simm.s32 $0xA080  }
0x23: {  	[tilespmem:s9], [sflag:$0x4] =	stream.linear.gather [hbm4b:s8+s4], $0x1000, $0x38;
	[tilespmem:$0x10080] =	vst v63  }
0x24: {  	s10 =	simm.s32 $0x7080  }
0x25: {  	[tilespmem:s10], [sflag:$0x5] =	stream.linear.gather [hbm4b:s11+s4], $0x1000, $0x38;
	[tilespmem:$0x10080] =	vst v63  }
0x26: {  	s5 =	simm.s32 $0xB080  }
0x27: {  	[tilespmem:s5], [sflag:$0x5] =	stream.linear.gather [hbm4b:s12+s4], $0x1000, $0x38;
	[tilespmem:$0x10080] =	vst v63  }
0x28: {  	_ = 	snop  }
0x29: {  	[tilespmem:s4], [sflag:$0x7] =	stream.linear.gather [hbm4b:s13+s4], $0x80, $0x38;
	[tilespmem:$0x10080] =	vst v63  }
0x2a: {  	_ =	swait.ge [sflag:s1], $0x80  }
0x2b: {  	[sflag:s1] =	ssyncset.done $0x0  }
0x2c: {  	[sflag:s1] =	ssyncadd.s32 $0xFFFFFF80  }
0x2d: {  	v2 =	vld.msk [tilespmem:$0x0], $0xf;
	_ =	sdelay $0x4  }
0x2e: {  	v3 =	vshll.u32 v2, $0x4  }
0x2f: {  	v2 =	vand.u32 $0x7, v2;
	v3 =	vand.u32 $0xFFFFFF80, v3  }
0x30: {  	v2 =	vor.u32 v2, v3  }
0x31: {  	v2 =	vperm.xlane v2, v0;
	_ =	sdelay $0x1  }
0x32: {  	v2 =	vadd.s32 v1, v2;
	_ =	sdelay $0x3  }
0x33: {  	s7 =	simm.s32 $0x80;
	s6 =	rddreg [dreg:$0x1]  }
0x34: {  	[tilespmem:s7], [sflag:$0x1] =	stream.indirect_vreg.gather [hbm4b:s6+s4], $0x80, v2, vm0, $0xb8;
	[tilespmem:$0x10080] =	vst v63  }
0x35: {  	s8 =	simm.s32 $0x880  }
0x36: {  	[tilespmem:s8], [sflag:$0x1] =	stream.indirect_vreg.gather [hbm4b:s14+s4], $0x80, v2, vm0, $0xb8;
	[tilespmem:$0x10080] =	vst v63  }
0x37: {  	s9 =	simm.s32 $0x1080  }
0x38: {  	[tilespmem:s9], [sflag:$0x1] =	stream.indirect_vreg.gather [hbm4b:s15+s4], $0x80, v2, vm0, $0xb8;
	[tilespmem:$0x10080] =	vst v63  }
0x39: {  	s10 =	simm.s32 $0x1880  }
0x3a: {  	[tilespmem:s10], [sflag:$0x1] =	stream.indirect_vreg.gather [hbm4b:s16+s4], $0x80, v2, vm0, $0xb8;
	[tilespmem:$0x10080] =	vst v63  }
0x3b: {  	v2 =	vld.msk [tilespmem:$0x0], $0xf;
	_ =	sdelay $0x4  }
0x3c: {  	v3 =	vshll.u32 v2, $0x4  }
0x3d: {  	v2 =	vand.u32 $0x7, v2;
	v3 =	vand.u32 $0xFFFFFF80, v3  }
0x3e: {  	v2 =	vor.u32 v2, v3  }
0x3f: {  	v2 =	vperm.xlane v2, v0;
	_ =	sdelay $0x1  }
0x40: {  	v2 =	vadd.s32 v1, v2;
	_ =	sdelay $0x3  }
0x41: {  	s5 =	rddreg [dreg:$0x2];
	s6 =	simm.s32 $0x2080  }
0x42: {  	[tilespmem:s6], [sflag:$0x1] =	stream.indirect_vreg.gather [hbm4b:s5+s4], $0x80, v2, vm0, $0xb8;
	[tilespmem:$0x10080] =	vst v63  }
0x43: {  	s7 =	simm.s32 $0x2880  }
0x44: {  	[tilespmem:s7], [sflag:$0x1] =	stream.indirect_vreg.gather [hbm4b:s17+s4], $0x80, v2, vm0, $0xb8;
	[tilespmem:$0x10080] =	vst v63  }
0x45: {  	s8 =	simm.s32 $0x3080  }
0x46: {  	[tilespmem:s8], [sflag:$0x1] =	stream.indirect_vreg.gather [hbm4b:s18+s4], $0x80, v2, vm0, $0xb8;
	[tilespmem:$0x10080] =	vst v63  }
0x47: {  	s9 =	simm.s32 $0x3880  }
0x48: {  	[tilespmem:s9], [sflag:$0x1] =	stream.indirect_vreg.gather [hbm4b:s19+s4], $0x80, v2, vm0, $0xb8;
	[tilespmem:$0x10080] =	vst v63  }
0x49: {  	_ =	swait.ge [sflag:s3], $0x2000  }
0x4a: {  	[sflag:s3] =	ssyncset.done $0x0  }
0x4b: {  	[sflag:s3] =	ssyncadd.s32 $0xFFFFE000  }
0x4c: {  	_ =	swait.ge [sflag:s3], $0x2000  }
0x4d: {  	[sflag:s3] =	ssyncset.done $0x0  }
0x4e: {  	[sflag:s3] =	ssyncadd.s32 $0xFFFFE000  }
0x4f: {  	_ =	swait.ge [sflag:s25], $0x1000  }
0x50: {  	[sflag:s25] =	ssyncset.done $0x0  }
0x51: {  	[sflag:s25] =	ssyncadd.s32 $0xFFFFF000  }
0x52: {  	_ =	swait.ge [sflag:s25], $0x1000  }
0x53: {  	s10 =	sand.u32 $0x70, s4;
	s7 =	sand.u32 $0x1E00, s4;
	[sflag:s25] =	ssyncset.done $0x0  }
0x54: {  	s5 =	sor.u32 s10, s7;
	[sflag:s25] =	ssyncadd.s32 $0xFFFFF000  }
0x55: {  	s6 =	sand.u32 $0xF00, s4;
	v2 =	vld [tilespmem:s5+$0x80]  }
0x56: {  	s30 =	sor.u32 s10, s6;
	v10 =	vld [tilespmem:s5+$0x2080]  }
0x57: {  	v7 =	vld [tilespmem:s30+$0x4100]  }
0x58: {  	s8 =	simm.s32 $0x40;
	s9 =	simm.s32 $0x10;
	v9 =	vld [tilespmem:s30+$0x8100]  }
0x59: {  	s0 =	sand.u32 $0x1E00, s8;
	s5 =	sand.u32 $0x70, s9;
	v11 =	vld [tilespmem:s30+$0x4080]  }
0x5a: {  	s10 =	simm.s32 $0x20;
	v5 =	vld [tilespmem:s30+$0x8080];
	s0 =	sor.u32 s5, s0  }
0x5b: {  	s6 =	sand.u32 $0xF00, s10;
	v3 =	vld [tilespmem:s0+$0x80]  }
0x5c: {  	v4 =	vld [tilespmem:s0+$0x2080];
	s0 =	sor.u32 s5, s6  }
0x5d: {  	v6 =	vld [tilespmem:s0+$0x4100];
	v8 =	vmul.f32 v7, v10;
	v9 =	vmul.f32 v9, v2  }
0x5e: {  	s7 =	simm.s32 $0x20;
	s5 =	simm.s32 $0x40;
	s6 =	simm.s32 $0x80;
	v7 =	vld [tilespmem:s0+$0x8100];
	v10 =	vmul.f32 v11, v10  }
.LBB2_2:
0x5f: {  	s8 =	sand.u32 $0x70, s7;
	s9 =	sand.u32 $0x1E00, s6;
	v11 =	vld [tilespmem:s0+$0x4080];
	v13 =	vmul.f32 v5, v2;
	v8 =	vadd.f32 v9, v8;
	p0 =	sne.s32 s5, $0xFE0  }
.Ltmp0:
0x60: {  	s9 =	sor.u32 s8, s9;
	v5 =	vld [tilespmem:s0+$0x8080];
	v2 =	vmov v3;
	(pc) =	sbr.rel @p0 .LBB2_2-.Ltmp0, $4  }
0x61: {  	s10 =	sand.u32 $0xF00, s5;
	v3 =	vld [tilespmem:s9+$0x80];
	v10 =	vadd.f32 v13, v10;
	[tilespmem:s30+$0xC100] =	vst v8;
	v12 =	vmov v4  }
0x62: {  	s5 =	sadd.s32 $0x20, s5;
	s8 =	sor.u32 s8, s10;
	v4 =	vld [tilespmem:s9+$0x2080]  }
0x63: {  	v8 =	vmul.f32 v6, v12;
	v6 =	vld [tilespmem:s8+$0x4100];
	v9 =	vmul.f32 v7, v2;
	[tilespmem:s30+$0xC080] =	vst v10;
	s30 =	smov.u32 s0;
	s0 =	smov.u32 s8  }
0x64: {  	s6 =	sadd.s32 $0x40, s6;
	s7 =	sadd.s32 $0x10, s7;
	v7 =	vld [tilespmem:s0+$0x8100];
	v10 =	vmul.f32 v11, v12  }
0x65: {  	v11 =	vld [tilespmem:s0+$0x4080]  }
0x66: {  	v12 =	vld [tilespmem:s0+$0x8080];
	_ =	sdelay $0x2  }
0x67: {  	v2 =	vmul.f32 v5, v2  }
0x68: {  	v5 =	vadd.f32 v9, v8;
	v6 =	vmul.f32 v6, v4;
	v7 =	vmul.f32 v7, v3  }
0x69: {  	v2 =	vadd.f32 v2, v10;
	v4 =	vmul.f32 v11, v4;
	v3 =	vmul.f32 v12, v3  }
0x6a: {  	[tilespmem:s30+$0xC100] =	vst v5;
	v5 =	vadd.f32 v7, v6  }
0x6b: {  	[tilespmem:s30+$0xC080] =	vst v2;
	v2 =	vadd.f32 v3, v4  }
0x6c: {  	[tilespmem:s0+$0xC100] =	vst v5  }
0x6d: {  	s10 =	simm.s32 $0x0;
	s5 =	simm.s32 $0xC080;
	[tilespmem:s0+$0xC080] =	vst v2  }
0x6e: {  	[hbm4b:s20+s10] =	stream.linear.scatter [tilespmem:s5], [sflag:$0x6], $0x1000, $0x38;
	[tilespmem:$0x10080] =	vst v63  }
0x6f: {  	_ =	swait.ge [sflag:s26], $0x1000  }
0x70: {  	[sflag:s26] =	ssyncset.done $0x0  }
0x71: {  	[sflag:s26] =	ssyncadd.s32 $0xFFFFF000  }
0x72: {  	_ =	swait.ge [sflag:s26], $0x1000  }
0x73: {  	s7 =	sand.u32 $0x70, s10;
	s6 =	sand.u32 $0x1E00, s10;
	[sflag:s26] =	ssyncset.done $0x0  }
0x74: {  	s6 =	sor.u32 s6, s7;
	[sflag:s26] =	ssyncadd.s32 $0xFFFFF000  }
0x75: {  	s0 =	sand.u32 $0xF00, s10;
	v2 =	vld [tilespmem:s6+$0x100]  }
0x76: {  	s30 =	sor.u32 s0, s7;
	v10 =	vld [tilespmem:s6+$0x2100]  }
0x77: {  	v7 =	vld [tilespmem:s30+$0x5100]  }
0x78: {  	s8 =	simm.s32 $0x40;
	s9 =	simm.s32 $0x10;
	v9 =	vld [tilespmem:s30+$0x9100]  }
0x79: {  	s5 =	sand.u32 $0x70, s9;
	s0 =	sand.u32 $0x1E00, s8;
	v11 =	vld [tilespmem:s30+$0x5080]  }
0x7a: {  	s10 =	simm.s32 $0x20;
	s0 =	sor.u32 s0, s5;
	v5 =	vld [tilespmem:s30+$0x9080]  }
0x7b: {  	v3 =	vld [tilespmem:s0+$0x100];
	s6 =	sand.u32 $0xF00, s10  }
0x7c: {  	v4 =	vld [tilespmem:s0+$0x2100];
	s0 =	sor.u32 s6, s5  }
0x7d: {  	v6 =	vld [tilespmem:s0+$0x5100];
	v8 =	vmul.f32 v7, v10;
	v9 =	vmul.f32 v9, v2  }
0x7e: {  	s7 =	simm.s32 $0x20;
	s5 =	simm.s32 $0x40;
	s6 =	simm.s32 $0x80;
	v7 =	vld [tilespmem:s0+$0x9100];
	v10 =	vmul.f32 v11, v10  }
.LBB2_4:
0x7f: {  	s8 =	sand.u32 $0x70, s7;
	s9 =	sand.u32 $0x1E00, s6;
	v11 =	vld [tilespmem:s0+$0x5080];
	v13 =	vmul.f32 v5, v2;
	v8 =	vadd.f32 v9, v8;
	p0 =	sne.s32 s5, $0xFE0  }
.Ltmp1:
0x80: {  	s9 =	sor.u32 s9, s8;
	v5 =	vld [tilespmem:s0+$0x9080];
	v2 =	vmov v3;
	(pc) =	sbr.rel @p0 .LBB2_4-.Ltmp1, $4  }
0x81: {  	s10 =	sand.u32 $0xF00, s5;
	v3 =	vld [tilespmem:s9+$0x100];
	v10 =	vadd.f32 v13, v10;
	[tilespmem:s30+$0xD100] =	vst v8;
	v12 =	vmov v4  }
0x82: {  	s5 =	sadd.s32 $0x20, s5;
	s8 =	sor.u32 s10, s8;
	v4 =	vld [tilespmem:s9+$0x2100]  }
0x83: {  	v8 =	vmul.f32 v6, v12;
	v6 =	vld [tilespmem:s8+$0x5100];
	v9 =	vmul.f32 v7, v2;
	[tilespmem:s30+$0xD080] =	vst v10;
	s30 =	smov.u32 s0;
	s0 =	smov.u32 s8  }
0x84: {  	s6 =	sadd.s32 $0x40, s6;
	s7 =	sadd.s32 $0x10, s7;
	v7 =	vld [tilespmem:s0+$0x9100];
	v10 =	vmul.f32 v11, v12  }
0x85: {  	v11 =	vld [tilespmem:s0+$0x5080]  }
0x86: {  	v12 =	vld [tilespmem:s0+$0x9080];
	_ =	sdelay $0x2  }
0x87: {  	v2 =	vmul.f32 v5, v2  }
0x88: {  	v5 =	vadd.f32 v9, v8;
	v6 =	vmul.f32 v6, v4;
	v7 =	vmul.f32 v7, v3  }
0x89: {  	v2 =	vadd.f32 v2, v10;
	v4 =	vmul.f32 v11, v4;
	v3 =	vmul.f32 v12, v3  }
0x8a: {  	[tilespmem:s30+$0xD100] =	vst v5;
	v5 =	vadd.f32 v7, v6  }
0x8b: {  	[tilespmem:s30+$0xD080] =	vst v2;
	v2 =	vadd.f32 v3, v4  }
0x8c: {  	[tilespmem:s0+$0xD100] =	vst v5  }
0x8d: {  	s10 =	simm.s32 $0x0;
	s5 =	simm.s32 $0xD080;
	[tilespmem:s0+$0xD080] =	vst v2  }
0x8e: {  	[hbm4b:s21+s10] =	stream.linear.scatter [tilespmem:s5], [sflag:$0x6], $0x1000, $0x38;
	[tilespmem:$0x10080] =	vst v63  }
0x8f: {  	_ =	swait.ge [sflag:s29], $0x1000  }
0x90: {  	[sflag:s29] =	ssyncset.done $0x0  }
0x91: {  	[sflag:s29] =	ssyncadd.s32 $0xFFFFF000  }
0x92: {  	_ =	swait.ge [sflag:s29], $0x1000  }
0x93: {  	s7 =	sand.u32 $0x70, s10;
	s6 =	sand.u32 $0x1E00, s10;
	[sflag:s29] =	ssyncset.done $0x0  }
0x94: {  	s6 =	sor.u32 s6, s7;
	[sflag:s29] =	ssyncadd.s32 $0xFFFFF000  }
0x95: {  	s0 =	sand.u32 $0xF00, s10;
	v2 =	vld [tilespmem:s6+$0x180]  }
0x96: {  	s30 =	sor.u32 s0, s7;
	v10 =	vld [tilespmem:s6+$0x2180]  }
0x97: {  	v7 =	vld [tilespmem:s30+$0x6100]  }
0x98: {  	s8 =	simm.s32 $0x40;
	s9 =	simm.s32 $0x10;
	v9 =	vld [tilespmem:s30+$0xA100]  }
0x99: {  	s5 =	sand.u32 $0x70, s9;
	s0 =	sand.u32 $0x1E00, s8;
	v11 =	vld [tilespmem:s30+$0x6080]  }
0x9a: {  	s10 =	simm.s32 $0x20;
	s0 =	sor.u32 s0, s5;
	v5 =	vld [tilespmem:s30+$0xA080]  }
0x9b: {  	v3 =	vld [tilespmem:s0+$0x180];
	s6 =	sand.u32 $0xF00, s10  }
0x9c: {  	v4 =	vld [tilespmem:s0+$0x2180];
	s0 =	sor.u32 s6, s5  }
0x9d: {  	v6 =	vld [tilespmem:s0+$0x6100];
	v8 =	vmul.f32 v7, v10;
	v9 =	vmul.f32 v9, v2  }
0x9e: {  	s7 =	simm.s32 $0x20;
	s5 =	simm.s32 $0x40;
	s6 =	simm.s32 $0x80;
	v7 =	vld [tilespmem:s0+$0xA100];
	v10 =	vmul.f32 v11, v10  }
.LBB2_6:
0x9f: {  	s8 =	sand.u32 $0x70, s7;
	s9 =	sand.u32 $0x1E00, s6;
	v11 =	vld [tilespmem:s0+$0x6080];
	v13 =	vmul.f32 v5, v2;
	v8 =	vadd.f32 v9, v8;
	p0 =	sne.s32 s5, $0xFE0  }
.Ltmp2:
0xa0: {  	s9 =	sor.u32 s9, s8;
	v5 =	vld [tilespmem:s0+$0xA080];
	v2 =	vmov v3;
	(pc) =	sbr.rel @p0 .LBB2_6-.Ltmp2, $4  }
0xa1: {  	s10 =	sand.u32 $0xF00, s5;
	v3 =	vld [tilespmem:s9+$0x180];
	v10 =	vadd.f32 v13, v10;
	[tilespmem:s30+$0xE100] =	vst v8;
	v12 =	vmov v4  }
0xa2: {  	s5 =	sadd.s32 $0x20, s5;
	s8 =	sor.u32 s10, s8;
	v4 =	vld [tilespmem:s9+$0x2180]  }
0xa3: {  	v8 =	vmul.f32 v6, v12;
	v6 =	vld [tilespmem:s8+$0x6100];
	v9 =	vmul.f32 v7, v2;
	[tilespmem:s30+$0xE080] =	vst v10;
	s30 =	smov.u32 s0;
	s0 =	smov.u32 s8  }
0xa4: {  	s6 =	sadd.s32 $0x40, s6;
	s7 =	sadd.s32 $0x10, s7;
	v7 =	vld [tilespmem:s0+$0xA100];
	v10 =	vmul.f32 v11, v12  }
0xa5: {  	v11 =	vld [tilespmem:s0+$0x6080]  }
0xa6: {  	v12 =	vld [tilespmem:s0+$0xA080];
	_ =	sdelay $0x2  }
0xa7: {  	v2 =	vmul.f32 v5, v2  }
0xa8: {  	v5 =	vadd.f32 v9, v8;
	v6 =	vmul.f32 v6, v4;
	v7 =	vmul.f32 v7, v3  }
0xa9: {  	v2 =	vadd.f32 v2, v10;
	v4 =	vmul.f32 v11, v4;
	v3 =	vmul.f32 v12, v3  }
0xaa: {  	[tilespmem:s30+$0xE100] =	vst v5;
	v5 =	vadd.f32 v7, v6  }
0xab: {  	[tilespmem:s30+$0xE080] =	vst v2;
	v2 =	vadd.f32 v3, v4  }
0xac: {  	[tilespmem:s0+$0xE100] =	vst v5  }
0xad: {  	s10 =	simm.s32 $0x0;
	s5 =	simm.s32 $0xE080;
	[tilespmem:s0+$0xE080] =	vst v2  }
0xae: {  	[hbm4b:s22+s10] =	stream.linear.scatter [tilespmem:s5], [sflag:$0x6], $0x1000, $0x38;
	[tilespmem:$0x10080] =	vst v63  }
0xaf: {  	_ =	swait.ge [sflag:s31], $0x1000  }
0xb0: {  	[sflag:s31] =	ssyncset.done $0x0  }
0xb1: {  	[sflag:s31] =	ssyncadd.s32 $0xFFFFF000  }
0xb2: {  	_ =	swait.ge [sflag:s31], $0x1000  }
0xb3: {  	s7 =	sand.u32 $0x70, s10;
	s6 =	sand.u32 $0x1E00, s10;
	[sflag:s31] =	ssyncset.done $0x0  }
0xb4: {  	s6 =	sor.u32 s6, s7;
	[sflag:s31] =	ssyncadd.s32 $0xFFFFF000  }
0xb5: {  	s0 =	sand.u32 $0xF00, s10;
	v2 =	vld [tilespmem:s6+$0x200]  }
0xb6: {  	s30 =	sor.u32 s0, s7;
	v10 =	vld [tilespmem:s6+$0x2200]  }
0xb7: {  	v7 =	vld [tilespmem:s30+$0x7100]  }
0xb8: {  	s8 =	simm.s32 $0x40;
	s9 =	simm.s32 $0x10;
	v9 =	vld [tilespmem:s30+$0xB100]  }
0xb9: {  	s5 =	sand.u32 $0x70, s9;
	s0 =	sand.u32 $0x1E00, s8;
	v11 =	vld [tilespmem:s30+$0x7080]  }
0xba: {  	s10 =	simm.s32 $0x20;
	s0 =	sor.u32 s0, s5;
	v5 =	vld [tilespmem:s30+$0xB080]  }
0xbb: {  	v3 =	vld [tilespmem:s0+$0x200];
	s6 =	sand.u32 $0xF00, s10  }
0xbc: {  	v4 =	vld [tilespmem:s0+$0x2200];
	s0 =	sor.u32 s6, s5  }
0xbd: {  	v6 =	vld [tilespmem:s0+$0x7100];
	v8 =	vmul.f32 v7, v10;
	v9 =	vmul.f32 v9, v2  }
0xbe: {  	s7 =	simm.s32 $0x20;
	s5 =	simm.s32 $0x40;
	s6 =	simm.s32 $0x80;
	v7 =	vld [tilespmem:s0+$0xB100];
	v10 =	vmul.f32 v11, v10  }
.LBB2_8:
0xbf: {  	s8 =	sand.u32 $0x70, s7;
	s9 =	sand.u32 $0x1E00, s6;
	v11 =	vld [tilespmem:s0+$0x7080];
	v13 =	vmul.f32 v5, v2;
	v8 =	vadd.f32 v9, v8;
	p0 =	sne.s32 s5, $0xFE0  }
.Ltmp3:
0xc0: {  	s9 =	sor.u32 s9, s8;
	v5 =	vld [tilespmem:s0+$0xB080];
	v2 =	vmov v3;
	(pc) =	sbr.rel @p0 .LBB2_8-.Ltmp3, $4  }
0xc1: {  	s10 =	sand.u32 $0xF00, s5;
	v3 =	vld [tilespmem:s9+$0x200];
	v10 =	vadd.f32 v13, v10;
	[tilespmem:s30+$0xF100] =	vst v8;
	v12 =	vmov v4  }
0xc2: {  	s5 =	sadd.s32 $0x20, s5;
	s8 =	sor.u32 s10, s8;
	v4 =	vld [tilespmem:s9+$0x2200]  }
0xc3: {  	v8 =	vmul.f32 v6, v12;
	v6 =	vld [tilespmem:s8+$0x7100];
	v9 =	vmul.f32 v7, v2;
	[tilespmem:s30+$0xF080] =	vst v10;
	s30 =	smov.u32 s0;
	s0 =	smov.u32 s8  }
0xc4: {  	s6 =	sadd.s32 $0x40, s6;
	s7 =	sadd.s32 $0x10, s7;
	v7 =	vld [tilespmem:s0+$0xB100];
	v10 =	vmul.f32 v11, v12  }
0xc5: {  	v11 =	vld [tilespmem:s0+$0x7080]  }
0xc6: {  	v12 =	vld [tilespmem:s0+$0xB080];
	_ =	sdelay $0x2  }
0xc7: {  	v2 =	vmul.f32 v5, v2  }
0xc8: {  	v61 =	vadd.f32 v9, v8;
	v6 =	vmul.f32 v6, v4;
	v7 =	vmul.f32 v7, v3  }
0xc9: {  	v2 =	vadd.f32 v2, v10;
	v62 =	vmul.f32 v11, v4;
	v3 =	vmul.f32 v12, v3  }
0xca: {  	[tilespmem:s30+$0xF100] =	vst v61;
	v63 =	vadd.f32 v7, v6  }
0xcb: {  	[tilespmem:s30+$0xF080] =	vst v2;
	v2 =	vadd.f32 v3, v62  }
0xcc: {  	[tilespmem:s0+$0xF100] =	vst v63  }
0xcd: {  	s30 =	simm.s32 $0xF080;
	[tilespmem:s0+$0xF080] =	vst v2  }
0xce: {  	[hbm4b:s23+s4] =	stream.linear.scatter [tilespmem:s30], [sflag:$0x6], $0x1000, $0x38;
	[tilespmem:$0x10080] =	vst v63  }
0xcf: {  	_ =	swait.ge [sflag:s2], $0x1000  }
0xd0: {  	[sflag:s2] =	ssyncset.done $0x0  }
0xd1: {  	[sflag:s2] =	ssyncadd.s32 $0xFFFFF000  }
0xd2: {  	_ =	swait.ge [sflag:s2], $0x1000  }
0xd3: {  	[sflag:s2] =	ssyncset.done $0x0  }
0xd4: {  	s28 =	sadd.s32 $0x1, s28;
	[sflag:s2] =	ssyncadd.s32 $0xFFFFF000  }
0xd5: {  	p0 =	sne.s32 s28, s24;
	_ =	swait.ge [sflag:s2], $0x1000  }
.Ltmp4:
0xd6: {  	[sflag:s2] =	ssyncset.done $0x0;
	(pc) =	sbr.rel @p0 .LBB2_1-.Ltmp4, $4  }
0xd7: {  	[sflag:s2] =	ssyncadd.s32 $0xFFFFF000  }
0xd8: {  	_ =	swait.ge [sflag:s2], $0x1000  }
0xd9: {  	[sflag:s2] =	ssyncset.done $0x0  }
0xda: {  	[sflag:s2] =	ssyncadd.s32 $0xFFFFF000  }
0xdb: {  	_ =	sfence.sel $0x180000  }
0xdc: {  	[bflag:$0x0] =	sbarrier.arrive $0xFFFF  }
0xdd: {  	_ =	strace $0x90000047  }
0xde: {  	s0 =	stileid.u32;
	[bflag:$0x2] =	sbarrier.arrive $0xFFFF  }
0xdf: {  	p0 =	sne.s32 s0, $0x0;
	s0 =	rddreg [dreg:$0x6]  }
0xe0: {  	s0 =	sadd.s32 @!p0 $0x100000, s0  }
0xe1: {  	[sflag:s0] =	ssyncadd.tile.s32 @!p0 $0x1;
	_ =	shalt  }
.Lfunc_end2:
_tile_overlayer_lowered:
.L_overlay_start_2:
0xe2: {  	(tag) =	ssettag $0x2  }
0xe3: {  	s0 =	rddreg [dreg:$0x0];
	s2 =	stileid.u32  }
0xe4: {  	s1 =	rddreg [dreg:$0x1];
	p0 =	sne.s32 s2, $0x0  }
0xe5: {  	s3 =	rddreg [dreg:$0x2];
	[bflag:$0x3] =	sbarrier.arrive $0xFFFF;
	s2 =	simm.s32 @!p0 $0x1C07  }
0xe6: {  	[timem:s3], [sflag:s2] =	dma.local @!p0 [hbm:s0], s1  }
0xe7: {  	s0 =	simm.s32 @!p0 $0x7  }
0xe8: {  	_ =	swait.ge @!p0 [sflag:s0], s1  }
0xe9: {  	s1 =	ssub.s32 @!p0 $0x0, s1;
	[sflag:s0] =	ssyncset.done @!p0 $0x0  }
0xea: {  	[sflag:s0] =	ssyncadd.s32 @!p0 s1  }
0xeb: {  	[bflag:$0x3] =	sbarrier.arrive $0xFFFF  }
0xec: {  	_ =	shalt  }

</sc_bundles>
